<compile_context>
chip_gen: v7x
topology: tpu7x:2x2x1
jax: 0.10.2.dev20260603
libtpu: 0.0.44.dev20260713+nightly
codegen_flags: <defaults>
</compile_context>

<pallas_src>
import functools

import jax
import jax.numpy as jnp
from jax import lax
from jax.experimental import pallas as pl
from jax.experimental.pallas import tpu as pltpu
from jax.experimental.pallas import tpu_sc as plsc

N = 10000
EG = 160000
DN = 256
DE = 128
H = 128
OUT = 256

NC, NS = 2, 16
NW = NC * NS
EPW = EG // NW
CH = 128
NFULL = EPW // CH
TAIL = EPW - NFULL * CH
NPAD = 10240
RPW = NPAD // NS



def _pre_body(v_ref, w_ref, p_ref, q_ref, r_ref):
    y = jnp.dot(v_ref[...], w_ref[...], preferred_element_type=jnp.float32)
    p_ref[...] = y[:, :H]
    q_ref[...] = y[:, H:2 * H]
    r_ref[...] = y[:, 2 * H:3 * H]


def _precompute(v, w_cat):
    blk = 1000
    grid = (N // blk,)
    row = lambda i: (i, 0)
    fix = lambda i: (0, 0)
    return pl.pallas_call(
        _pre_body,
        grid=grid,
        in_specs=[
            pl.BlockSpec((blk, DN), row),
            pl.BlockSpec((DN, 3 * H), fix),
        ],
        out_specs=[
            pl.BlockSpec((blk, H), row),
            pl.BlockSpec((blk, H), row),
            pl.BlockSpec((blk, H), row),
        ],
        out_shape=[
            jax.ShapeDtypeStruct((N, H), jnp.float32),
            jax.ShapeDtypeStruct((N, H), jnp.float32),
            jax.ShapeDtypeStruct((N, H), jnp.float32),
        ],
    )(v, w_cat)


def _edge_body(pq, e, w0e, b0, w1, b1, w2, b2, g, bt, out):
    x = pq[...] + b0[...]
    x = x + jnp.dot(e[...], w0e[...], preferred_element_type=jnp.float32)
    x = jnp.maximum(x, 0.0)
    x = jnp.dot(x.astype(jnp.bfloat16), w1[...],
                preferred_element_type=jnp.float32) + b1[...]
    x = jnp.maximum(x, 0.0)
    x = jnp.dot(x.astype(jnp.bfloat16), w2[...],
                preferred_element_type=jnp.float32) + b2[...]
    mu = jnp.mean(x, axis=-1, keepdims=True)
    xc = x - mu
    var = jnp.mean(xc * xc, axis=-1, keepdims=True)
    out[...] = xc * lax.rsqrt(var + 1e-5) * g[...] + bt[...]


def _edge_mlp(pq, e, w0e, b0, w1, b1, w2, b2, g, bt):
    blk = 4000
    grid = (EG // blk,)
    row = lambda i: (i, 0)
    fix = lambda i: (0, 0)
    return pl.pallas_call(
        _edge_body,
        grid=grid,
        in_specs=[
            pl.BlockSpec((blk, H), row),
            pl.BlockSpec((blk, DE), row),
            pl.BlockSpec((DE, H), fix),
            pl.BlockSpec((1, H), fix),
            pl.BlockSpec((H, H), fix),
            pl.BlockSpec((1, H), fix),
            pl.BlockSpec((H, DE), fix),
            pl.BlockSpec((1, DE), fix),
            pl.BlockSpec((1, DE), fix),
            pl.BlockSpec((1, DE), fix),
        ],
        out_specs=pl.BlockSpec((blk, DE), row),
        out_shape=jax.ShapeDtypeStruct((EG, DE), jnp.float32),
    )(pq, e, w0e, b0, w1, b1, w2, b2, g, bt)


def _node_body(r, p0, p1, w0e, b0, w1, b1, w2, b2, g, bt, out):
    es = p0[...] + p1[...]
    x = r[...] + b0[...]
    x = x + jnp.dot(es, w0e[...], preferred_element_type=jnp.float32)
    x = jnp.maximum(x, 0.0)
    x = jnp.maximum(jnp.dot(x, w1[...], preferred_element_type=jnp.float32)
                    + b1[...], 0.0)
    x = jnp.dot(x, w2[...], preferred_element_type=jnp.float32) + b2[...]
    mu = jnp.mean(x, axis=-1, keepdims=True)
    xc = x - mu
    var = jnp.mean(xc * xc, axis=-1, keepdims=True)
    out[...] = xc * lax.rsqrt(var + 1e-5) * g[...] + bt[...]


def _node_mlp(r, p0, p1, w0e, b0, w1, b1, w2, b2, g, bt):
    blk = 1000
    grid = (N // blk,)
    row = lambda i: (i, 0)
    fix = lambda i: (0, 0)
    return pl.pallas_call(
        _node_body,
        grid=grid,
        in_specs=[
            pl.BlockSpec((blk, H), row),
            pl.BlockSpec((blk, DE), row),
            pl.BlockSpec((blk, DE), row),
            pl.BlockSpec((DE, H), fix),
            pl.BlockSpec((1, H), fix),
            pl.BlockSpec((H, H), fix),
            pl.BlockSpec((1, H), fix),
            pl.BlockSpec((H, OUT), fix),
            pl.BlockSpec((1, OUT), fix),
            pl.BlockSpec((1, OUT), fix),
            pl.BlockSpec((1, OUT), fix),
        ],
        out_specs=pl.BlockSpec((blk, OUT), row),
        out_shape=jax.ShapeDtypeStruct((N, OUT), jnp.float32),
    )(r, p0, p1, w0e, b0, w1, b1, w2, b2, g, bt)



def _sc_gather_body(p_hbm, q_hbm, idx_s_hbm, idx_r_hbm, pq_out,
                    isv, irv, pb0, pb1, pb2, pb3, ptb,
                    sA0, sA1, sA2, sA3, sB0, sB1, sB2, sB3,
                    sC0, sC1, sC2, sC3):
    wid = lax.axis_index("s") * NC + lax.axis_index("c")
    base = pl.multiple_of(wid * EPW, 8)
    h1 = pltpu.async_copy(idx_s_hbm.at[pl.ds(base, EPW)], isv, sA0)
    h2 = pltpu.async_copy(idx_r_hbm.at[pl.ds(base, EPW)], irv, sB0)
    h1.wait()
    h2.wait()

    bufs = (pb0, pb1, pb2, pb3)
    sA = (sA0, sA1, sA2, sA3)
    sB = (sB0, sB1, sB2, sB3)
    sC = (sC0, sC1, sC2, sC3)

    def startP(i, rb, sem, size=CH):
        off = pl.multiple_of(i * CH, 8)
        return pltpu.async_copy(p_hbm.at[isv.at[pl.ds(off, size)]], rb, sem)

    def startQ(i, rb, sem, size=CH):
        off = pl.multiple_of(i * CH, 8)
        return pltpu.async_copy(q_hbm.at[irv.at[pl.ds(off, size)]], rb, sem,
                                add=True)

    def startW(i, rb, sem, size=CH):
        goff = pl.multiple_of(base + i * CH, 8)
        return pltpu.async_copy(rb, pq_out.at[pl.ds(goff, size)], sem)

    def drainW(rb, sem):
        pltpu.make_async_copy(pq_out.at[pl.ds(0, CH)], rb, sem).wait()

    hP = [startP(b, bufs[b], sA[b]) for b in range(4)]
    hQ = []
    for b in range(4):
        hP[b].wait()
        hQ.append(startQ(b, bufs[b], sB[b]))
    for b in range(4):
        hQ[b].wait()
        startW(b, bufs[b], sC[b])

    def body(k, carry):
        i = 4 * k
        hP = []
        for b in range(4):
            drainW(bufs[b], sC[b])
            hP.append(startP(i + b, bufs[b], sA[b]))
        hQ = []
        for b in range(4):
            hP[b].wait()
            hQ.append(startQ(i + b, bufs[b], sB[b]))
        for b in range(4):
            hQ[b].wait()
            startW(i + b, bufs[b], sC[b])
        return carry

    lax.fori_loop(1, 9, body, 0)

    hP = []
    for b in range(3):
        drainW(bufs[b], sC[b])
        hP.append(startP(36 + b, bufs[b], sA[b]))
    drainW(bufs[3], sC[3])
    hPt = startP(NFULL, ptb, sA[3], size=TAIL)
    hQ = []
    for b in range(3):
        hP[b].wait()
        hQ.append(startQ(36 + b, bufs[b], sB[b]))
    hPt.wait()
    hQt = startQ(NFULL, ptb, sB[3], size=TAIL)
    hW = []
    for b in range(3):
        hQ[b].wait()
        hW.append(startW(36 + b, bufs[b], sC[b]))
    hQt.wait()
    hWt = startW(NFULL, ptb, sC[3], size=TAIL)
    for h in hW:
        h.wait()
    hWt.wait()


def _sc_scatter_body(emb_hbm, idx_s_hbm, zeros_hbm, out_hbm,
                     ib0, rb0, ib1, rb1, it, rt, acc,
                     sI0, sE0, sI1, sE1, sS0, sS1):
    cid = lax.axis_index("c")
    sid = lax.axis_index("s")
    wid = sid * NC + cid
    pltpu.sync_copy(zeros_hbm, acc.at[pl.ds(sid * RPW, RPW)])
    plsc.subcore_barrier()

    base = pl.multiple_of(wid * EPW, 8)
    ibs = (ib0, ib1)
    rbs = (rb0, rb1)
    sI = (sI0, sI1)
    sE = (sE0, sE1)
    sS = (sS0, sS1)

    def pre(i, b):
        off = pl.multiple_of(base + i * CH, 8)
        pltpu.async_copy(idx_s_hbm.at[pl.ds(off, CH)], ibs[b], sI[b])
        pltpu.async_copy(emb_hbm.at[pl.ds(off, CH)], rbs[b], sE[b])

    def wait_pre(b):
        pltpu.make_async_copy(idx_s_hbm.at[pl.ds(0, CH)], ibs[b], sI[b]).wait()
        pltpu.make_async_copy(emb_hbm.at[pl.ds(0, CH)], rbs[b], sE[b]).wait()

    def scat(b):
        pltpu.sync_copy(rbs[b], acc.at[ibs[b]], add=True)

    pre(0, 0)
    pre(1, 1)

    def body(k, carry):
        i = 2 * k
        wait_pre(0)
        scat(0)
        pre(i + 2, 0)
        wait_pre(1)
        scat(1)
        pre(i + 3, 1)
        return carry

    lax.fori_loop(0, 18, body, 0)
    wait_pre(0)
    scat(0)
    pre(38, 0)
    wait_pre(1)
    scat(1)
    toff = pl.multiple_of(base + NFULL * CH, 8)
    pltpu.async_copy(idx_s_hbm.at[pl.ds(toff, TAIL)], it, sI1)
    pltpu.async_copy(emb_hbm.at[pl.ds(toff, TAIL)], rt, sE1)
    wait_pre(0)
    scat(0)
    pltpu.make_async_copy(idx_s_hbm.at[pl.ds(0, TAIL)], it, sI1).wait()
    pltpu.make_async_copy(emb_hbm.at[pl.ds(0, TAIL)], rt, sE1).wait()
    pltpu.sync_copy(rt, acc.at[it], add=True)

    plsc.subcore_barrier()
    ooff = pl.multiple_of(cid * NPAD + sid * RPW, 8)
    pltpu.sync_copy(acc.at[pl.ds(sid * RPW, RPW)], out_hbm.at[pl.ds(ooff, RPW)])


@functools.lru_cache(maxsize=None)
def _build_sc_kernels():
    mesh = plsc.VectorSubcoreMesh(core_axis_name="c", subcore_axis_name="s",
                                  num_cores=NC, num_subcores=NS)
    gather = pl.kernel(
        _sc_gather_body,
        out_type=jax.ShapeDtypeStruct((EG, H), jnp.float32),
        mesh=mesh,
        scratch_types=[
            pltpu.VMEM((EPW,), jnp.int32),
            pltpu.VMEM((EPW,), jnp.int32),
            pltpu.VMEM((CH, H), jnp.float32),
            pltpu.VMEM((CH, H), jnp.float32),
            pltpu.VMEM((CH, H), jnp.float32),
            pltpu.VMEM((CH, H), jnp.float32),
            pltpu.VMEM((TAIL, H), jnp.float32),
        ] + [pltpu.SemaphoreType.DMA] * 12,
    )
    scatter = pl.kernel(
        _sc_scatter_body,
        out_type=jax.ShapeDtypeStruct((NC * NPAD, DE), jnp.float32),
        mesh=mesh,
        scratch_types=[
            pltpu.VMEM((CH,), jnp.int32),
            pltpu.VMEM((CH, DE), jnp.float32),
            pltpu.VMEM((CH,), jnp.int32),
            pltpu.VMEM((CH, DE), jnp.float32),
            pltpu.VMEM((TAIL,), jnp.int32),
            pltpu.VMEM((TAIL, DE), jnp.float32),
            pltpu.VMEM_SHARED((NPAD, DE), jnp.float32),
        ] + [pltpu.SemaphoreType.DMA] * 6,
    )
    return gather, scatter


def _sc_gather(p, q, idx_s, idx_r):
    return _build_sc_kernels()[0](p, q, idx_s, idx_r)


def _sc_scatter(emb, idx_s, zeros):
    return _build_sc_kernels()[1](emb, idx_s, zeros)



def kernel(V, E, edges, ew0, eb0, ew1, eb1, ew2, eb2, eg, ebt,
           nw0, nb0, nw1, nb1, nw2, nb2, ng, nbt):
    v2 = V.reshape(N, DN)
    e2 = E.reshape(EG, DE).astype(jnp.bfloat16)
    idx_s = edges.reshape(EG, 2)[:, 0]
    idx_r = edges.reshape(EG, 2)[:, 1]

    w_cat = jnp.concatenate([ew0[:DN], ew0[DN:2 * DN], nw0[:DN]], axis=1)
    p, q, r = _precompute(v2, w_cat)

    pq = _sc_gather(p, q, idx_s, idx_r)

    edge_emb = _edge_mlp(
        pq, e2, ew0[2 * DN:].astype(jnp.bfloat16), eb0.reshape(1, H),
        ew1.astype(jnp.bfloat16), eb1.reshape(1, H),
        ew2.astype(jnp.bfloat16), eb2.reshape(1, DE),
        eg.reshape(1, DE), ebt.reshape(1, DE))

    zeros = jnp.zeros((RPW, DE), jnp.float32)
    partials = _sc_scatter(edge_emb, idx_s, zeros)
    p0 = partials[:N]
    p1 = partials[NPAD:NPAD + N]

    node_emb = _node_mlp(
        r, p0, p1, nw0[DN:], nb0.reshape(1, H),
        nw1, nb1.reshape(1, H), nw2, nb2.reshape(1, OUT),
        ng.reshape(1, OUT), nbt.reshape(1, OUT))

    return (node_emb.reshape(1, N, OUT), edge_emb.reshape(1, EG, DE))

# --- scband reference (transcript-rebuilt; emitter-appended) ---
"""Pipeline reference for scband-gnn-28458453303851 (READ-ONLY COPY).

The authoritative reference and input builder live on the scoring server;
editing this copy changes nothing except your own understanding.
"""

import jax, jax.numpy as jnp
import numpy as np

B, N, Eg = 1, 10000, 160000
DN, DE, H, OUT = 256, 128, 128, 256


def _dense(key, fan_in, fan_out):
    k1, k2 = jax.random.split(key)
    lim = 1.0 / np.sqrt(fan_in)
    W = jax.random.uniform(k1, (fan_in, fan_out), minval=-lim, maxval=lim, dtype=jnp.float32)
    b = jax.random.uniform(k2, (fan_out,), minval=-lim, maxval=lim, dtype=jnp.float32)
    return W, b


def setup_inputs(seed: int = 0) -> dict:
    key = jax.random.key(seed)
    ks = jax.random.split(key, 10)
    V = jax.random.normal(ks[0], (B, N, DN), dtype=jnp.float32)
    E = jax.random.normal(ks[1], (B, Eg, DE), dtype=jnp.float32)
    edges = jax.random.randint(ks[2], (B, Eg, 2), 0, N, dtype=jnp.int32)
    # f_edge MLP: in = DE + 2*DN = 640 -> H -> H -> DE, LayerNorm(DE)
    ew0, eb0 = _dense(ks[3], DE + 2 * DN, H)
    ew1, eb1 = _dense(ks[4], H, H)
    ew2, eb2 = _dense(ks[5], H, DE)
    eg = jnp.ones((DE,), jnp.float32); ebt = jnp.zeros((DE,), jnp.float32)
    # f_node MLP: in = DE + DN = 384 -> H -> H -> OUT, LayerNorm(OUT)
    nw0, nb0 = _dense(ks[6], DE + DN, H)
    nw1, nb1 = _dense(ks[7], H, H)
    nw2, nb2 = _dense(ks[8], H, OUT)
    ng = jnp.ones((OUT,), jnp.float32); nbt = jnp.zeros((OUT,), jnp.float32)
    return {"V": V, "E": E, "edges": edges,
            "ew0": ew0, "eb0": eb0, "ew1": ew1, "eb1": eb1, "ew2": ew2, "eb2": eb2, "eg": eg, "ebt": ebt,
            "nw0": nw0, "nb0": nb0, "nw1": nw1, "nb1": nb1, "nw2": nw2, "nb2": nb2, "ng": ng, "nbt": nbt}


def _mlp(x, W0, b0, W1, b1, W2, b2, g, beta):
    x = jax.nn.relu(x @ W0 + b0)
    x = jax.nn.relu(x @ W1 + b1)
    x = x @ W2 + b2
    mu = jnp.mean(x, axis=-1, keepdims=True)
    var = jnp.var(x, axis=-1, keepdims=True)
    x = (x - mu) / jnp.sqrt(var + 1e-5)
    return x * g + beta


def reference(V, E, edges, ew0, eb0, ew1, eb1, ew2, eb2, eg, ebt,
              nw0, nb0, nw1, nb1, nw2, nb2, ng, nbt):
    idx_s = jnp.broadcast_to(edges[..., 0][..., None], (B, Eg, DN))
    idx_r = jnp.broadcast_to(edges[..., 1][..., None], (B, Eg, DN))
    senders = jnp.take_along_axis(V, idx_s, axis=1)
    receivers = jnp.take_along_axis(V, idx_r, axis=1)
    edge_inpt = jnp.concatenate([senders, receivers, E], axis=-1)
    edge_embeddings = _mlp(edge_inpt, ew0, eb0, ew1, eb1, ew2, eb2, eg, ebt)
    bidx = jnp.arange(B)[:, None]
    edge_sum = jnp.zeros((B, N, DE), jnp.float32).at[bidx, edges[..., 0]].add(edge_embeddings)
    node_inpt = jnp.concatenate([V, edge_sum], axis=-1)
    node_embeddings = _mlp(node_inpt, nw0, nb0, nw1, nb1, nw2, nb2, ng, nbt)
    return (node_embeddings, edge_embeddings)

if __name__ == "__main__":
    import jax
    _d = setup_inputs()
    print(jax.jit(kernel)(*tuple(_d.values())))

</pallas_src>

<mosaic_0001>
#map = affine_map<(d0, d1) -> (0, 0)>
#map1 = affine_map<(d0, d1) -> (0)>
module attributes {stable_mosaic.version = 14 : i64} {
  func.func @_sc_scatter_body(%arg0: i32, %arg1: i32, %arg2: memref<160000x128xf32, #tpu.memory_space<hbm>>, %arg3: memref<160000xi32, #tpu.memory_space<hbm>>, %arg4: memref<640x128xf32, #tpu.memory_space<hbm>>, %arg5: memref<20480x128xf32, #tpu.memory_space<hbm>>, %arg6: memref<128xi32, #tpu.memory_space<vmem>>, %arg7: memref<128x128xf32, #tpu.memory_space<vmem>>, %arg8: memref<128xi32, #tpu.memory_space<vmem>>, %arg9: memref<128x128xf32, #tpu.memory_space<vmem>>, %arg10: memref<8xi32, #tpu.memory_space<vmem>>, %arg11: memref<8x128xf32, #tpu.memory_space<vmem>>, %arg12: memref<10240x128xf32, #tpu.memory_space<vmem_shared>>, %arg13: memref<!tpu.dma_semaphore, #tpu.memory_space<semaphore_mem>>, %arg14: memref<!tpu.dma_semaphore, #tpu.memory_space<semaphore_mem>>, %arg15: memref<!tpu.dma_semaphore, #tpu.memory_space<semaphore_mem>>, %arg16: memref<!tpu.dma_semaphore, #tpu.memory_space<semaphore_mem>>, %arg17: memref<!tpu.dma_semaphore, #tpu.memory_space<semaphore_mem>>, %arg18: memref<!tpu.dma_semaphore, #tpu.memory_space<semaphore_mem>>) attributes {dimension_semantics = [#tpu.dimension_semantics<core_parallel>, #tpu.dimension_semantics<subcore_parallel>], iteration_bounds = array<i64: 2, 16>, scalar_prefetch = 0 : i64, scratch_operands = 13 : i64, tpu.core_type = #tpu.core_type<sc_vector_subcore>, window_params = [{transform_indices = #map}, {transform_indices = #map1}, {transform_indices = #map}, {transform_indices = #map}]} {
    %mul3A = arith.constant 2 : i32
    %mul3A_0 = arith.muli %arg1, %mul3A : i32
    %add3A = arith.addi %mul3A_0, %arg0 : i32
    %mul3A_1 = arith.constant 640 : i32
    %mul3A_2 = arith.muli %arg1, %mul3A_1 : i32
    "tpu.region"() ({
      %run_scoped3A = tpu.sem_alloc : memref<!tpu.dma_semaphore, #tpu.memory_space<semaphore_mem>>
      %dma_start3A_93 = arith.constant 0 : i32
      %dma_start3A_94 = tpu.memref_slice %arg12[%mul3A_2, %dma_start3A_93] : memref<10240x128xf32, #tpu.memory_space<vmem_shared>> -> memref<640x128xf32, #tpu.memory_space<vmem_shared>>
      tpu.enqueue_dma source(%arg4 : memref<640x128xf32, #tpu.memory_space<hbm>>) target(%dma_start3A_94 : memref<640x128xf32, #tpu.memory_space<vmem_shared>>) target_semaphore(%run_scoped3A : memref<!tpu.dma_semaphore, #tpu.memory_space<semaphore_mem>>)
      %dma_wait3A_95 = arith.constant 0 : i32
      %dma_wait3A_96 = tpu.memref_slice %arg12[%mul3A_2, %dma_wait3A_95] : memref<10240x128xf32, #tpu.memory_space<vmem_shared>> -> memref<640x128xf32, #tpu.memory_space<vmem_shared>>
      tpu.wait_dma2 semaphore(%run_scoped3A : memref<!tpu.dma_semaphore, #tpu.memory_space<semaphore_mem>>) src(%arg4 : memref<640x128xf32, #tpu.memory_space<hbm>>) dst(%dma_wait3A_96 : memref<640x128xf32, #tpu.memory_space<vmem_shared>>)
      tpu.yield
    }) : () -> ()
    %barrier3A = arith.constant 0 : index
    tpu.barrier barrier_id(%barrier3A)
    %mul3A_3 = arith.constant 5000 : i32
    %mul3A_4 = arith.muli %add3A, %mul3A_3 : i32
    %multiple_of3A = tpu.assume_multiple %mul3A_4, 8 : i32
    %add3A_5 = arith.constant 0 : i32
    %add3A_6 = arith.addi %multiple_of3A, %add3A_5 : i32
    %multiple_of3A_7 = tpu.assume_multiple %add3A_6, 8 : i32
    %dma_start3A = tpu.memref_slice %arg3[%multiple_of3A_7] : memref<160000xi32, #tpu.memory_space<hbm>> -> memref<128xi32, #tpu.memory_space<hbm>>
    %dma_start3A_8 = tpu.memref_slice %arg3[%multiple_of3A_7] : memref<160000xi32, #tpu.memory_space<hbm>> -> memref<128xi32, #tpu.memory_space<hbm>>
    tpu.enqueue_dma source(%dma_start3A_8 : memref<128xi32, #tpu.memory_space<hbm>>) target(%arg6 : memref<128xi32, #tpu.memory_space<vmem>>) target_semaphore(%arg13 : memref<!tpu.dma_semaphore, #tpu.memory_space<semaphore_mem>>)
    %dma_start3A_9 = arith.constant 0 : i32
    %dma_start3A_10 = tpu.memref_slice %arg2[%multiple_of3A_7, %dma_start3A_9] : memref<160000x128xf32, #tpu.memory_space<hbm>> -> memref<128x128xf32, #tpu.memory_space<hbm>>
    %dma_start3A_11 = arith.constant 0 : i32
    %dma_start3A_12 = tpu.memref_slice %arg2[%multiple_of3A_7, %dma_start3A_11] : memref<160000x128xf32, #tpu.memory_space<hbm>> -> memref<128x128xf32, #tpu.memory_space<hbm>>
    tpu.enqueue_dma source(%dma_start3A_12 : memref<128x128xf32, #tpu.memory_space<hbm>>) target(%arg7 : memref<128x128xf32, #tpu.memory_space<vmem>>) target_semaphore(%arg14 : memref<!tpu.dma_semaphore, #tpu.memory_space<semaphore_mem>>)
    %add3A_13 = arith.constant 128 : i32
    %add3A_14 = arith.addi %multiple_of3A, %add3A_13 : i32
    %multiple_of3A_15 = tpu.assume_multiple %add3A_14, 8 : i32
    %dma_start3A_16 = tpu.memref_slice %arg3[%multiple_of3A_15] : memref<160000xi32, #tpu.memory_space<hbm>> -> memref<128xi32, #tpu.memory_space<hbm>>
    %dma_start3A_17 = tpu.memref_slice %arg3[%multiple_of3A_15] : memref<160000xi32, #tpu.memory_space<hbm>> -> memref<128xi32, #tpu.memory_space<hbm>>
    tpu.enqueue_dma source(%dma_start3A_17 : memref<128xi32, #tpu.memory_space<hbm>>) target(%arg8 : memref<128xi32, #tpu.memory_space<vmem>>) target_semaphore(%arg15 : memref<!tpu.dma_semaphore, #tpu.memory_space<semaphore_mem>>)
    %dma_start3A_18 = arith.constant 0 : i32
    %dma_start3A_19 = tpu.memref_slice %arg2[%multiple_of3A_15, %dma_start3A_18] : memref<160000x128xf32, #tpu.memory_space<hbm>> -> memref<128x128xf32, #tpu.memory_space<hbm>>
    %dma_start3A_20 = arith.constant 0 : i32
    %dma_start3A_21 = tpu.memref_slice %arg2[%multiple_of3A_15, %dma_start3A_20] : memref<160000x128xf32, #tpu.memory_space<hbm>> -> memref<128x128xf32, #tpu.memory_space<hbm>>
    tpu.enqueue_dma source(%dma_start3A_21 : memref<128x128xf32, #tpu.memory_space<hbm>>) target(%arg9 : memref<128x128xf32, #tpu.memory_space<vmem>>) target_semaphore(%arg16 : memref<!tpu.dma_semaphore, #tpu.memory_space<semaphore_mem>>)
    %scan3A = arith.constant 0 : i32
    %scan3A_22 = arith.constant 0 : i32
    %scan3A_23 = arith.constant 18 : i32
    %scan3A_24 = arith.addi %scan3A_22, %scan3A_23 : i32
    %scan3A_25 = arith.constant 1 : i32
    scf.for %scan3A_93 = %scan3A_22 to %scan3A_24 step %scan3A_25  : i32 {
      %mul3A_94 = arith.constant 2 : i32
      %mul3A_95 = arith.muli %mul3A_94, %scan3A_93 : i32
      %dma_wait3A_96 = arith.constant 0 : i32
      %dma_wait3A_97 = tpu.memref_slice %arg3[%dma_wait3A_96] : memref<160000xi32, #tpu.memory_space<hbm>> -> memref<128xi32, #tpu.memory_space<hbm>>
      %dma_wait3A_98 = arith.constant 0 : i32
      %dma_wait3A_99 = tpu.memref_slice %arg3[%dma_wait3A_98] : memref<160000xi32, #tpu.memory_space<hbm>> -> memref<128xi32, #tpu.memory_space<hbm>>
      tpu.wait_dma2 semaphore(%arg13 : memref<!tpu.dma_semaphore, #tpu.memory_space<semaphore_mem>>) src(%dma_wait3A_99 : memref<128xi32, #tpu.memory_space<hbm>>) dst(%arg6 : memref<128xi32, #tpu.memory_space<vmem>>)
      %dma_wait3A_100 = arith.constant 0 : i32
      %dma_wait3A_101 = arith.constant 0 : i32
      %dma_wait3A_102 = tpu.memref_slice %arg2[%dma_wait3A_100, %dma_wait3A_101] : memref<160000x128xf32, #tpu.memory_space<hbm>> -> memref<128x128xf32, #tpu.memory_space<hbm>>
      %dma_wait3A_103 = arith.constant 0 : i32
      %dma_wait3A_104 = arith.constant 0 : i32
      %dma_wait3A_105 = tpu.memref_slice %arg2[%dma_wait3A_103, %dma_wait3A_104] : memref<160000x128xf32, #tpu.memory_space<hbm>> -> memref<128x128xf32, #tpu.memory_space<hbm>>
      tpu.wait_dma2 semaphore(%arg14 : memref<!tpu.dma_semaphore, #tpu.memory_space<semaphore_mem>>) src(%dma_wait3A_105 : memref<128x128xf32, #tpu.memory_space<hbm>>) dst(%arg7 : memref<128x128xf32, #tpu.memory_space<vmem>>)
      "tpu.region"() ({
        %run_scoped3A = tpu.sem_alloc : memref<!tpu.dma_semaphore, #tpu.memory_space<semaphore_mem>>
        %dma_start3A_140 = arith.constant 0 : i32
        %dma_start3A_141 = arith.constant 0 : i32
        %dma_start3A_142 = tpu.memref_slice %arg12[%dma_start3A_140, %dma_start3A_141] : memref<10240x128xf32, #tpu.memory_space<vmem_shared>> -> memref<10240x128xf32, #tpu.memory_space<vmem_shared>>
        tpu.enqueue_indirect_dma source(%arg7 : memref<128x128xf32, #tpu.memory_space<vmem>>) target(%dma_start3A_142 : memref<10240x128xf32, #tpu.memory_space<vmem_shared>>) offsets(%arg6 : memref<128xi32, #tpu.memory_space<vmem>>) semaphore(%run_scoped3A : memref<!tpu.dma_semaphore, #tpu.memory_space<semaphore_mem>>) {add = true}
        %dma_wait3A_143 = arith.constant 0 : i32
        %dma_wait3A_144 = arith.constant 0 : i32
        %dma_wait3A_145 = tpu.memref_slice %arg12[%dma_wait3A_143, %dma_wait3A_144] : memref<10240x128xf32, #tpu.memory_space<vmem_shared>> -> memref<10240x128xf32, #tpu.memory_space<vmem_shared>>
        tpu.wait_indirect_dma semaphore(%run_scoped3A : memref<!tpu.dma_semaphore, #tpu.memory_space<semaphore_mem>>) src(%arg7 : memref<128x128xf32, #tpu.memory_space<vmem>>) dst(%dma_wait3A_145 : memref<10240x128xf32, #tpu.memory_space<vmem_shared>>)
        tpu.yield
      }) : () -> ()
      %add3A_106 = arith.constant 2 : i32
      %add3A_107 = arith.addi %mul3A_95, %add3A_106 : i32
      %mul3A_108 = arith.constant 128 : i32
      %mul3A_109 = arith.muli %add3A_107, %mul3A_108 : i32
      %add3A_110 = arith.addi %multiple_of3A, %mul3A_109 : i32
      %multiple_of3A_111 = tpu.assume_multiple %add3A_110, 8 : i32
      %dma_start3A_112 = tpu.memref_slice %arg3[%multiple_of3A_111] : memref<160000xi32, #tpu.memory_space<hbm>> -> memref<128xi32, #tpu.memory_space<hbm>>
      %dma_start3A_113 = tpu.memref_slice %arg3[%multiple_of3A_111] : memref<160000xi32, #tpu.memory_space<hbm>> -> memref<128xi32, #tpu.memory_space<hbm>>
      tpu.enqueue_dma source(%dma_start3A_113 : memref<128xi32, #tpu.memory_space<hbm>>) target(%arg6 : memref<128xi32, #tpu.memory_space<vmem>>) target_semaphore(%arg13 : memref<!tpu.dma_semaphore, #tpu.memory_space<semaphore_mem>>)
      %dma_start3A_114 = arith.constant 0 : i32
      %dma_start3A_115 = tpu.memref_slice %arg2[%multiple_of3A_111, %dma_start3A_114] : memref<160000x128xf32, #tpu.memory_space<hbm>> -> memref<128x128xf32, #tpu.memory_space<hbm>>
      %dma_start3A_116 = arith.constant 0 : i32
      %dma_start3A_117 = tpu.memref_slice %arg2[%multiple_of3A_111, %dma_start3A_116] : memref<160000x128xf32, #tpu.memory_space<hbm>> -> memref<128x128xf32, #tpu.memory_space<hbm>>
      tpu.enqueue_dma source(%dma_start3A_117 : memref<128x128xf32, #tpu.memory_space<hbm>>) target(%arg7 : memref<128x128xf32, #tpu.memory_space<vmem>>) target_semaphore(%arg14 : memref<!tpu.dma_semaphore, #tpu.memory_space<semaphore_mem>>)
      %dma_wait3A_118 = arith.constant 0 : i32
      %dma_wait3A_119 = tpu.memref_slice %arg3[%dma_wait3A_118] : memref<160000xi32, #tpu.memory_space<hbm>> -> memref<128xi32, #tpu.memory_space<hbm>>
      %dma_wait3A_120 = arith.constant 0 : i32
      %dma_wait3A_121 = tpu.memref_slice %arg3[%dma_wait3A_120] : memref<160000xi32, #tpu.memory_space<hbm>> -> memref<128xi32, #tpu.memory_space<hbm>>
      tpu.wait_dma2 semaphore(%arg15 : memref<!tpu.dma_semaphore, #tpu.memory_space<semaphore_mem>>) src(%dma_wait3A_121 : memref<128xi32, #tpu.memory_space<hbm>>) dst(%arg8 : memref<128xi32, #tpu.memory_space<vmem>>)
      %dma_wait3A_122 = arith.constant 0 : i32
      %dma_wait3A_123 = arith.constant 0 : i32
      %dma_wait3A_124 = tpu.memref_slice %arg2[%dma_wait3A_122, %dma_wait3A_123] : memref<160000x128xf32, #tpu.memory_space<hbm>> -> memref<128x128xf32, #tpu.memory_space<hbm>>
      %dma_wait3A_125 = arith.constant 0 : i32
      %dma_wait3A_126 = arith.constant 0 : i32
      %dma_wait3A_127 = tpu.memref_slice %arg2[%dma_wait3A_125, %dma_wait3A_126] : memref<160000x128xf32, #tpu.memory_space<hbm>> -> memref<128x128xf32, #tpu.memory_space<hbm>>
      tpu.wait_dma2 semaphore(%arg16 : memref<!tpu.dma_semaphore, #tpu.memory_space<semaphore_mem>>) src(%dma_wait3A_127 : memref<128x128xf32, #tpu.memory_space<hbm>>) dst(%arg9 : memref<128x128xf32, #tpu.memory_space<vmem>>)
      "tpu.region"() ({
        %run_scoped3A = tpu.sem_alloc : memref<!tpu.dma_semaphore, #tpu.memory_space<semaphore_mem>>
        %dma_start3A_140 = arith.constant 0 : i32
        %dma_start3A_141 = arith.constant 0 : i32
        %dma_start3A_142 = tpu.memref_slice %arg12[%dma_start3A_140, %dma_start3A_141] : memref<10240x128xf32, #tpu.memory_space<vmem_shared>> -> memref<10240x128xf32, #tpu.memory_space<vmem_shared>>
        tpu.enqueue_indirect_dma source(%arg9 : memref<128x128xf32, #tpu.memory_space<vmem>>) target(%dma_start3A_142 : memref<10240x128xf32, #tpu.memory_space<vmem_shared>>) offsets(%arg8 : memref<128xi32, #tpu.memory_space<vmem>>) semaphore(%run_scoped3A : memref<!tpu.dma_semaphore, #tpu.memory_space<semaphore_mem>>) {add = true}
        %dma_wait3A_143 = arith.constant 0 : i32
        %dma_wait3A_144 = arith.constant 0 : i32
        %dma_wait3A_145 = tpu.memref_slice %arg12[%dma_wait3A_143, %dma_wait3A_144] : memref<10240x128xf32, #tpu.memory_space<vmem_shared>> -> memref<10240x128xf32, #tpu.memory_space<vmem_shared>>
        tpu.wait_indirect_dma semaphore(%run_scoped3A : memref<!tpu.dma_semaphore, #tpu.memory_space<semaphore_mem>>) src(%arg9 : memref<128x128xf32, #tpu.memory_space<vmem>>) dst(%dma_wait3A_145 : memref<10240x128xf32, #tpu.memory_space<vmem_shared>>)
        tpu.yield
      }) : () -> ()
      %add3A_128 = arith.constant 3 : i32
      %add3A_129 = arith.addi %mul3A_95, %add3A_128 : i32
      %mul3A_130 = arith.constant 128 : i32
      %mul3A_131 = arith.muli %add3A_129, %mul3A_130 : i32
      %add3A_132 = arith.addi %multiple_of3A, %mul3A_131 : i32
      %multiple_of3A_133 = tpu.assume_multiple %add3A_132, 8 : i32
      %dma_start3A_134 = tpu.memref_slice %arg3[%multiple_of3A_133] : memref<160000xi32, #tpu.memory_space<hbm>> -> memref<128xi32, #tpu.memory_space<hbm>>
      %dma_start3A_135 = tpu.memref_slice %arg3[%multiple_of3A_133] : memref<160000xi32, #tpu.memory_space<hbm>> -> memref<128xi32, #tpu.memory_space<hbm>>
      tpu.enqueue_dma source(%dma_start3A_135 : memref<128xi32, #tpu.memory_space<hbm>>) target(%arg8 : memref<128xi32, #tpu.memory_space<vmem>>) target_semaphore(%arg15 : memref<!tpu.dma_semaphore, #tpu.memory_space<semaphore_mem>>)
      %dma_start3A_136 = arith.constant 0 : i32
      %dma_start3A_137 = tpu.memref_slice %arg2[%multiple_of3A_133, %dma_start3A_136] : memref<160000x128xf32, #tpu.memory_space<hbm>> -> memref<128x128xf32, #tpu.memory_space<hbm>>
      %dma_start3A_138 = arith.constant 0 : i32
      %dma_start3A_139 = tpu.memref_slice %arg2[%multiple_of3A_133, %dma_start3A_138] : memref<160000x128xf32, #tpu.memory_space<hbm>> -> memref<128x128xf32, #tpu.memory_space<hbm>>
      tpu.enqueue_dma source(%dma_start3A_139 : memref<128x128xf32, #tpu.memory_space<hbm>>) target(%arg9 : memref<128x128xf32, #tpu.memory_space<vmem>>) target_semaphore(%arg16 : memref<!tpu.dma_semaphore, #tpu.memory_space<semaphore_mem>>)
    }
    %scan3A_26 = arith.constant 18 : i32
    %dma_wait3A = arith.constant 0 : i32
    %dma_wait3A_27 = tpu.memref_slice %arg3[%dma_wait3A] : memref<160000xi32, #tpu.memory_space<hbm>> -> memref<128xi32, #tpu.memory_space<hbm>>
    %dma_wait3A_28 = arith.constant 0 : i32
    %dma_wait3A_29 = tpu.memref_slice %arg3[%dma_wait3A_28] : memref<160000xi32, #tpu.memory_space<hbm>> -> memref<128xi32, #tpu.memory_space<hbm>>
    tpu.wait_dma2 semaphore(%arg13 : memref<!tpu.dma_semaphore, #tpu.memory_space<semaphore_mem>>) src(%dma_wait3A_29 : memref<128xi32, #tpu.memory_space<hbm>>) dst(%arg6 : memref<128xi32, #tpu.memory_space<vmem>>)
    %dma_wait3A_30 = arith.constant 0 : i32
    %dma_wait3A_31 = arith.constant 0 : i32
    %dma_wait3A_32 = tpu.memref_slice %arg2[%dma_wait3A_30, %dma_wait3A_31] : memref<160000x128xf32, #tpu.memory_space<hbm>> -> memref<128x128xf32, #tpu.memory_space<hbm>>
    %dma_wait3A_33 = arith.constant 0 : i32
    %dma_wait3A_34 = arith.constant 0 : i32
    %dma_wait3A_35 = tpu.memref_slice %arg2[%dma_wait3A_33, %dma_wait3A_34] : memref<160000x128xf32, #tpu.memory_space<hbm>> -> memref<128x128xf32, #tpu.memory_space<hbm>>
    tpu.wait_dma2 semaphore(%arg14 : memref<!tpu.dma_semaphore, #tpu.memory_space<semaphore_mem>>) src(%dma_wait3A_35 : memref<128x128xf32, #tpu.memory_space<hbm>>) dst(%arg7 : memref<128x128xf32, #tpu.memory_space<vmem>>)
    "tpu.region"() ({
      %run_scoped3A = tpu.sem_alloc : memref<!tpu.dma_semaphore, #tpu.memory_space<semaphore_mem>>
      %dma_start3A_93 = arith.constant 0 : i32
      %dma_start3A_94 = arith.constant 0 : i32
      %dma_start3A_95 = tpu.memref_slice %arg12[%dma_start3A_93, %dma_start3A_94] : memref<10240x128xf32, #tpu.memory_space<vmem_shared>> -> memref<10240x128xf32, #tpu.memory_space<vmem_shared>>
      tpu.enqueue_indirect_dma source(%arg7 : memref<128x128xf32, #tpu.memory_space<vmem>>) target(%dma_start3A_95 : memref<10240x128xf32, #tpu.memory_space<vmem_shared>>) offsets(%arg6 : memref<128xi32, #tpu.memory_space<vmem>>) semaphore(%run_scoped3A : memref<!tpu.dma_semaphore, #tpu.memory_space<semaphore_mem>>) {add = true}
      %dma_wait3A_96 = arith.constant 0 : i32
      %dma_wait3A_97 = arith.constant 0 : i32
      %dma_wait3A_98 = tpu.memref_slice %arg12[%dma_wait3A_96, %dma_wait3A_97] : memref<10240x128xf32, #tpu.memory_space<vmem_shared>> -> memref<10240x128xf32, #tpu.memory_space<vmem_shared>>
      tpu.wait_indirect_dma semaphore(%run_scoped3A : memref<!tpu.dma_semaphore, #tpu.memory_space<semaphore_mem>>) src(%arg7 : memref<128x128xf32, #tpu.memory_space<vmem>>) dst(%dma_wait3A_98 : memref<10240x128xf32, #tpu.memory_space<vmem_shared>>)
      tpu.yield
    }) : () -> ()
    %add3A_36 = arith.constant 4864 : i32
    %add3A_37 = arith.addi %multiple_of3A, %add3A_36 : i32
    %multiple_of3A_38 = tpu.assume_multiple %add3A_37, 8 : i32
    %dma_start3A_39 = tpu.memref_slice %arg3[%multiple_of3A_38] : memref<160000xi32, #tpu.memory_space<hbm>> -> memref<128xi32, #tpu.memory_space<hbm>>
    %dma_start3A_40 = tpu.memref_slice %arg3[%multiple_of3A_38] : memref<160000xi32, #tpu.memory_space<hbm>> -> memref<128xi32, #tpu.memory_space<hbm>>
    tpu.enqueue_dma source(%dma_start3A_40 : memref<128xi32, #tpu.memory_space<hbm>>) target(%arg6 : memref<128xi32, #tpu.memory_space<vmem>>) target_semaphore(%arg13 : memref<!tpu.dma_semaphore, #tpu.memory_space<semaphore_mem>>)
    %dma_start3A_41 = arith.constant 0 : i32
    %dma_start3A_42 = tpu.memref_slice %arg2[%multiple_of3A_38, %dma_start3A_41] : memref<160000x128xf32, #tpu.memory_space<hbm>> -> memref<128x128xf32, #tpu.memory_space<hbm>>
    %dma_start3A_43 = arith.constant 0 : i32
    %dma_start3A_44 = tpu.memref_slice %arg2[%multiple_of3A_38, %dma_start3A_43] : memref<160000x128xf32, #tpu.memory_space<hbm>> -> memref<128x128xf32, #tpu.memory_space<hbm>>
    tpu.enqueue_dma source(%dma_start3A_44 : memref<128x128xf32, #tpu.memory_space<hbm>>) target(%arg7 : memref<128x128xf32, #tpu.memory_space<vmem>>) target_semaphore(%arg14 : memref<!tpu.dma_semaphore, #tpu.memory_space<semaphore_mem>>)
    %dma_wait3A_45 = arith.constant 0 : i32
    %dma_wait3A_46 = tpu.memref_slice %arg3[%dma_wait3A_45] : memref<160000xi32, #tpu.memory_space<hbm>> -> memref<128xi32, #tpu.memory_space<hbm>>
    %dma_wait3A_47 = arith.constant 0 : i32
    %dma_wait3A_48 = tpu.memref_slice %arg3[%dma_wait3A_47] : memref<160000xi32, #tpu.memory_space<hbm>> -> memref<128xi32, #tpu.memory_space<hbm>>
    tpu.wait_dma2 semaphore(%arg15 : memref<!tpu.dma_semaphore, #tpu.memory_space<semaphore_mem>>) src(%dma_wait3A_48 : memref<128xi32, #tpu.memory_space<hbm>>) dst(%arg8 : memref<128xi32, #tpu.memory_space<vmem>>)
    %dma_wait3A_49 = arith.constant 0 : i32
    %dma_wait3A_50 = arith.constant 0 : i32
    %dma_wait3A_51 = tpu.memref_slice %arg2[%dma_wait3A_49, %dma_wait3A_50] : memref<160000x128xf32, #tpu.memory_space<hbm>> -> memref<128x128xf32, #tpu.memory_space<hbm>>
    %dma_wait3A_52 = arith.constant 0 : i32
    %dma_wait3A_53 = arith.constant 0 : i32
    %dma_wait3A_54 = tpu.memref_slice %arg2[%dma_wait3A_52, %dma_wait3A_53] : memref<160000x128xf32, #tpu.memory_space<hbm>> -> memref<128x128xf32, #tpu.memory_space<hbm>>
    tpu.wait_dma2 semaphore(%arg16 : memref<!tpu.dma_semaphore, #tpu.memory_space<semaphore_mem>>) src(%dma_wait3A_54 : memref<128x128xf32, #tpu.memory_space<hbm>>) dst(%arg9 : memref<128x128xf32, #tpu.memory_space<vmem>>)
    "tpu.region"() ({
      %run_scoped3A = tpu.sem_alloc : memref<!tpu.dma_semaphore, #tpu.memory_space<semaphore_mem>>
      %dma_start3A_93 = arith.constant 0 : i32
      %dma_start3A_94 = arith.constant 0 : i32
      %dma_start3A_95 = tpu.memref_slice %arg12[%dma_start3A_93, %dma_start3A_94] : memref<10240x128xf32, #tpu.memory_space<vmem_shared>> -> memref<10240x128xf32, #tpu.memory_space<vmem_shared>>
      tpu.enqueue_indirect_dma source(%arg9 : memref<128x128xf32, #tpu.memory_space<vmem>>) target(%dma_start3A_95 : memref<10240x128xf32, #tpu.memory_space<vmem_shared>>) offsets(%arg8 : memref<128xi32, #tpu.memory_space<vmem>>) semaphore(%run_scoped3A : memref<!tpu.dma_semaphore, #tpu.memory_space<semaphore_mem>>) {add = true}
      %dma_wait3A_96 = arith.constant 0 : i32
      %dma_wait3A_97 = arith.constant 0 : i32
      %dma_wait3A_98 = tpu.memref_slice %arg12[%dma_wait3A_96, %dma_wait3A_97] : memref<10240x128xf32, #tpu.memory_space<vmem_shared>> -> memref<10240x128xf32, #tpu.memory_space<vmem_shared>>
      tpu.wait_indirect_dma semaphore(%run_scoped3A : memref<!tpu.dma_semaphore, #tpu.memory_space<semaphore_mem>>) src(%arg9 : memref<128x128xf32, #tpu.memory_space<vmem>>) dst(%dma_wait3A_98 : memref<10240x128xf32, #tpu.memory_space<vmem_shared>>)
      tpu.yield
    }) : () -> ()
    %add3A_55 = arith.constant 4992 : i32
    %add3A_56 = arith.addi %multiple_of3A, %add3A_55 : i32
    %multiple_of3A_57 = tpu.assume_multiple %add3A_56, 8 : i32
    %dma_start3A_58 = tpu.memref_slice %arg3[%multiple_of3A_57] : memref<160000xi32, #tpu.memory_space<hbm>> -> memref<8xi32, #tpu.memory_space<hbm>>
    %dma_start3A_59 = tpu.memref_slice %arg3[%multiple_of3A_57] : memref<160000xi32, #tpu.memory_space<hbm>> -> memref<8xi32, #tpu.memory_space<hbm>>
    tpu.enqueue_dma source(%dma_start3A_59 : memref<8xi32, #tpu.memory_space<hbm>>) target(%arg10 : memref<8xi32, #tpu.memory_space<vmem>>) target_semaphore(%arg15 : memref<!tpu.dma_semaphore, #tpu.memory_space<semaphore_mem>>)
    %dma_start3A_60 = arith.constant 0 : i32
    %dma_start3A_61 = tpu.memref_slice %arg2[%multiple_of3A_57, %dma_start3A_60] : memref<160000x128xf32, #tpu.memory_space<hbm>> -> memref<8x128xf32, #tpu.memory_space<hbm>>
    %dma_start3A_62 = arith.constant 0 : i32
    %dma_start3A_63 = tpu.memref_slice %arg2[%multiple_of3A_57, %dma_start3A_62] : memref<160000x128xf32, #tpu.memory_space<hbm>> -> memref<8x128xf32, #tpu.memory_space<hbm>>
    tpu.enqueue_dma source(%dma_start3A_63 : memref<8x128xf32, #tpu.memory_space<hbm>>) target(%arg11 : memref<8x128xf32, #tpu.memory_space<vmem>>) target_semaphore(%arg16 : memref<!tpu.dma_semaphore, #tpu.memory_space<semaphore_mem>>)
    %dma_wait3A_64 = arith.constant 0 : i32
    %dma_wait3A_65 = tpu.memref_slice %arg3[%dma_wait3A_64] : memref<160000xi32, #tpu.memory_space<hbm>> -> memref<128xi32, #tpu.memory_space<hbm>>
    %dma_wait3A_66 = arith.constant 0 : i32
    %dma_wait3A_67 = tpu.memref_slice %arg3[%dma_wait3A_66] : memref<160000xi32, #tpu.memory_space<hbm>> -> memref<128xi32, #tpu.memory_space<hbm>>
    tpu.wait_dma2 semaphore(%arg13 : memref<!tpu.dma_semaphore, #tpu.memory_space<semaphore_mem>>) src(%dma_wait3A_67 : memref<128xi32, #tpu.memory_space<hbm>>) dst(%arg6 : memref<128xi32, #tpu.memory_space<vmem>>)
    %dma_wait3A_68 = arith.constant 0 : i32
    %dma_wait3A_69 = arith.constant 0 : i32
    %dma_wait3A_70 = tpu.memref_slice %arg2[%dma_wait3A_68, %dma_wait3A_69] : memref<160000x128xf32, #tpu.memory_space<hbm>> -> memref<128x128xf32, #tpu.memory_space<hbm>>
    %dma_wait3A_71 = arith.constant 0 : i32
    %dma_wait3A_72 = arith.constant 0 : i32
    %dma_wait3A_73 = tpu.memref_slice %arg2[%dma_wait3A_71, %dma_wait3A_72] : memref<160000x128xf32, #tpu.memory_space<hbm>> -> memref<128x128xf32, #tpu.memory_space<hbm>>
    tpu.wait_dma2 semaphore(%arg14 : memref<!tpu.dma_semaphore, #tpu.memory_space<semaphore_mem>>) src(%dma_wait3A_73 : memref<128x128xf32, #tpu.memory_space<hbm>>) dst(%arg7 : memref<128x128xf32, #tpu.memory_space<vmem>>)
    "tpu.region"() ({
      %run_scoped3A = tpu.sem_alloc : memref<!tpu.dma_semaphore, #tpu.memory_space<semaphore_mem>>
      %dma_start3A_93 = arith.constant 0 : i32
      %dma_start3A_94 = arith.constant 0 : i32
      %dma_start3A_95 = tpu.memref_slice %arg12[%dma_start3A_93, %dma_start3A_94] : memref<10240x128xf32, #tpu.memory_space<vmem_shared>> -> memref<10240x128xf32, #tpu.memory_space<vmem_shared>>
      tpu.enqueue_indirect_dma source(%arg7 : memref<128x128xf32, #tpu.memory_space<vmem>>) target(%dma_start3A_95 : memref<10240x128xf32, #tpu.memory_space<vmem_shared>>) offsets(%arg6 : memref<128xi32, #tpu.memory_space<vmem>>) semaphore(%run_scoped3A : memref<!tpu.dma_semaphore, #tpu.memory_space<semaphore_mem>>) {add = true}
      %dma_wait3A_96 = arith.constant 0 : i32
      %dma_wait3A_97 = arith.constant 0 : i32
      %dma_wait3A_98 = tpu.memref_slice %arg12[%dma_wait3A_96, %dma_wait3A_97] : memref<10240x128xf32, #tpu.memory_space<vmem_shared>> -> memref<10240x128xf32, #tpu.memory_space<vmem_shared>>
      tpu.wait_indirect_dma semaphore(%run_scoped3A : memref<!tpu.dma_semaphore, #tpu.memory_space<semaphore_mem>>) src(%arg7 : memref<128x128xf32, #tpu.memory_space<vmem>>) dst(%dma_wait3A_98 : memref<10240x128xf32, #tpu.memory_space<vmem_shared>>)
      tpu.yield
    }) : () -> ()
    %dma_wait3A_74 = arith.constant 0 : i32
    %dma_wait3A_75 = tpu.memref_slice %arg3[%dma_wait3A_74] : memref<160000xi32, #tpu.memory_space<hbm>> -> memref<8xi32, #tpu.memory_space<hbm>>
    %dma_wait3A_76 = arith.constant 0 : i32
    %dma_wait3A_77 = tpu.memref_slice %arg3[%dma_wait3A_76] : memref<160000xi32, #tpu.memory_space<hbm>> -> memref<8xi32, #tpu.memory_space<hbm>>
    tpu.wait_dma2 semaphore(%arg15 : memref<!tpu.dma_semaphore, #tpu.memory_space<semaphore_mem>>) src(%dma_wait3A_77 : memref<8xi32, #tpu.memory_space<hbm>>) dst(%arg10 : memref<8xi32, #tpu.memory_space<vmem>>)
    %dma_wait3A_78 = arith.constant 0 : i32
    %dma_wait3A_79 = arith.constant 0 : i32
    %dma_wait3A_80 = tpu.memref_slice %arg2[%dma_wait3A_78, %dma_wait3A_79] : memref<160000x128xf32, #tpu.memory_space<hbm>> -> memref<8x128xf32, #tpu.memory_space<hbm>>
    %dma_wait3A_81 = arith.constant 0 : i32
    %dma_wait3A_82 = arith.constant 0 : i32
    %dma_wait3A_83 = tpu.memref_slice %arg2[%dma_wait3A_81, %dma_wait3A_82] : memref<160000x128xf32, #tpu.memory_space<hbm>> -> memref<8x128xf32, #tpu.memory_space<hbm>>
    tpu.wait_dma2 semaphore(%arg16 : memref<!tpu.dma_semaphore, #tpu.memory_space<semaphore_mem>>) src(%dma_wait3A_83 : memref<8x128xf32, #tpu.memory_space<hbm>>) dst(%arg11 : memref<8x128xf32, #tpu.memory_space<vmem>>)
    "tpu.region"() ({
      %run_scoped3A = tpu.sem_alloc : memref<!tpu.dma_semaphore, #tpu.memory_space<semaphore_mem>>
      %dma_start3A_93 = arith.constant 0 : i32
      %dma_start3A_94 = arith.constant 0 : i32
      %dma_start3A_95 = tpu.memref_slice %arg12[%dma_start3A_93, %dma_start3A_94] : memref<10240x128xf32, #tpu.memory_space<vmem_shared>> -> memref<10240x128xf32, #tpu.memory_space<vmem_shared>>
      tpu.enqueue_indirect_dma source(%arg11 : memref<8x128xf32, #tpu.memory_space<vmem>>) target(%dma_start3A_95 : memref<10240x128xf32, #tpu.memory_space<vmem_shared>>) offsets(%arg10 : memref<8xi32, #tpu.memory_space<vmem>>) semaphore(%run_scoped3A : memref<!tpu.dma_semaphore, #tpu.memory_space<semaphore_mem>>) {add = true}
      %dma_wait3A_96 = arith.constant 0 : i32
      %dma_wait3A_97 = arith.constant 0 : i32
      %dma_wait3A_98 = tpu.memref_slice %arg12[%dma_wait3A_96, %dma_wait3A_97] : memref<10240x128xf32, #tpu.memory_space<vmem_shared>> -> memref<10240x128xf32, #tpu.memory_space<vmem_shared>>
      tpu.wait_indirect_dma semaphore(%run_scoped3A : memref<!tpu.dma_semaphore, #tpu.memory_space<semaphore_mem>>) src(%arg11 : memref<8x128xf32, #tpu.memory_space<vmem>>) dst(%dma_wait3A_98 : memref<10240x128xf32, #tpu.memory_space<vmem_shared>>)
      tpu.yield
    }) : () -> ()
    %barrier3A_84 = arith.constant 0 : index
    tpu.barrier barrier_id(%barrier3A_84)
    %mul3A_85 = arith.constant 10240 : i32
    %mul3A_86 = arith.muli %arg0, %mul3A_85 : i32
    %mul3A_87 = arith.constant 640 : i32
    %mul3A_88 = arith.muli %arg1, %mul3A_87 : i32
    %add3A_89 = arith.addi %mul3A_86, %mul3A_88 : i32
    %multiple_of3A_90 = tpu.assume_multiple %add3A_89, 8 : i32
    %mul3A_91 = arith.constant 640 : i32
    %mul3A_92 = arith.muli %arg1, %mul3A_91 : i32
    "tpu.region"() ({
      %run_scoped3A = tpu.sem_alloc : memref<!tpu.dma_semaphore, #tpu.memory_space<semaphore_mem>>
      %dma_start3A_93 = arith.constant 0 : i32
      %dma_start3A_94 = tpu.memref_slice %arg5[%multiple_of3A_90, %dma_start3A_93] : memref<20480x128xf32, #tpu.memory_space<hbm>> -> memref<640x128xf32, #tpu.memory_space<hbm>>
      %dma_start3A_95 = arith.constant 0 : i32
      %dma_start3A_96 = tpu.memref_slice %arg12[%mul3A_92, %dma_start3A_95] : memref<10240x128xf32, #tpu.memory_space<vmem_shared>> -> memref<640x128xf32, #tpu.memory_space<vmem_shared>>
      tpu.enqueue_dma source(%dma_start3A_96 : memref<640x128xf32, #tpu.memory_space<vmem_shared>>) target(%dma_start3A_94 : memref<640x128xf32, #tpu.memory_space<hbm>>) target_semaphore(%run_scoped3A : memref<!tpu.dma_semaphore, #tpu.memory_space<semaphore_mem>>)
      %dma_wait3A_97 = arith.constant 0 : i32
      %dma_wait3A_98 = tpu.memref_slice %arg5[%multiple_of3A_90, %dma_wait3A_97] : memref<20480x128xf32, #tpu.memory_space<hbm>> -> memref<640x128xf32, #tpu.memory_space<hbm>>
      %dma_wait3A_99 = arith.constant 0 : i32
      %dma_wait3A_100 = tpu.memref_slice %arg12[%mul3A_92, %dma_wait3A_99] : memref<10240x128xf32, #tpu.memory_space<vmem_shared>> -> memref<640x128xf32, #tpu.memory_space<vmem_shared>>
      tpu.wait_dma2 semaphore(%run_scoped3A : memref<!tpu.dma_semaphore, #tpu.memory_space<semaphore_mem>>) src(%dma_wait3A_100 : memref<640x128xf32, #tpu.memory_space<vmem_shared>>) dst(%dma_wait3A_98 : memref<640x128xf32, #tpu.memory_space<hbm>>)
      tpu.yield
    }) : () -> ()
    return
  }
}

#map = affine_map<(d0, d1) -> (0, 0)>
#map1 = affine_map<(d0, d1) -> (0)>
module attributes {stable_mosaic.version = 14 : i64} {
  func.func @_sc_gather_body(%arg0: i32, %arg1: i32, %arg2: memref<10000x128xf32, #tpu.memory_space<hbm>>, %arg3: memref<10000x128xf32, #tpu.memory_space<hbm>>, %arg4: memref<160000xi32, #tpu.memory_space<hbm>>, %arg5: memref<160000xi32, #tpu.memory_space<hbm>>, %arg6: memref<160000x128xf32, #tpu.memory_space<hbm>>, %arg7: memref<5000xi32, #tpu.memory_space<vmem>>, %arg8: memref<5000xi32, #tpu.memory_space<vmem>>, %arg9: memref<128x128xf32, #tpu.memory_space<vmem>>, %arg10: memref<128x128xf32, #tpu.memory_space<vmem>>, %arg11: memref<128x128xf32, #tpu.memory_space<vmem>>, %arg12: memref<128x128xf32, #tpu.memory_space<vmem>>, %arg13: memref<8x128xf32, #tpu.memory_space<vmem>>, %arg14: memref<!tpu.dma_semaphore, #tpu.memory_space<semaphore_mem>>, %arg15: memref<!tpu.dma_semaphore, #tpu.memory_space<semaphore_mem>>, %arg16: memref<!tpu.dma_semaphore, #tpu.memory_space<semaphore_mem>>, %arg17: memref<!tpu.dma_semaphore, #tpu.memory_space<semaphore_mem>>, %arg18: memref<!tpu.dma_semaphore, #tpu.memory_space<semaphore_mem>>, %arg19: memref<!tpu.dma_semaphore, #tpu.memory_space<semaphore_mem>>, %arg20: memref<!tpu.dma_semaphore, #tpu.memory_space<semaphore_mem>>, %arg21: memref<!tpu.dma_semaphore, #tpu.memory_space<semaphore_mem>>, %arg22: memref<!tpu.dma_semaphore, #tpu.memory_space<semaphore_mem>>, %arg23: memref<!tpu.dma_semaphore, #tpu.memory_space<semaphore_mem>>, %arg24: memref<!tpu.dma_semaphore, #tpu.memory_space<semaphore_mem>>, %arg25: memref<!tpu.dma_semaphore, #tpu.memory_space<semaphore_mem>>) attributes {dimension_semantics = [#tpu.dimension_semantics<core_parallel>, #tpu.dimension_semantics<subcore_parallel>], iteration_bounds = array<i64: 2, 16>, scalar_prefetch = 0 : i64, scratch_operands = 19 : i64, tpu.core_type = #tpu.core_type<sc_vector_subcore>, window_params = [{transform_indices = #map}, {transform_indices = #map}, {transform_indices = #map1}, {transform_indices = #map1}, {transform_indices = #map}]} {
    %mul3A = arith.constant 2 : i32
    %mul3A_0 = arith.muli %arg1, %mul3A : i32
    %add3A = arith.addi %mul3A_0, %arg0 : i32
    %mul3A_1 = arith.constant 5000 : i32
    %mul3A_2 = arith.muli %add3A, %mul3A_1 : i32
    %multiple_of3A = tpu.assume_multiple %mul3A_2, 8 : i32
    %dma_start3A = tpu.memref_slice %arg4[%multiple_of3A] : memref<160000xi32, #tpu.memory_space<hbm>> -> memref<5000xi32, #tpu.memory_space<hbm>>
    %dma_start3A_3 = tpu.memref_slice %arg4[%multiple_of3A] : memref<160000xi32, #tpu.memory_space<hbm>> -> memref<5000xi32, #tpu.memory_space<hbm>>
    tpu.enqueue_dma source(%dma_start3A_3 : memref<5000xi32, #tpu.memory_space<hbm>>) target(%arg7 : memref<5000xi32, #tpu.memory_space<vmem>>) target_semaphore(%arg14 : memref<!tpu.dma_semaphore, #tpu.memory_space<semaphore_mem>>)
    %dma_start3A_4 = tpu.memref_slice %arg5[%multiple_of3A] : memref<160000xi32, #tpu.memory_space<hbm>> -> memref<5000xi32, #tpu.memory_space<hbm>>
    %dma_start3A_5 = tpu.memref_slice %arg5[%multiple_of3A] : memref<160000xi32, #tpu.memory_space<hbm>> -> memref<5000xi32, #tpu.memory_space<hbm>>
    tpu.enqueue_dma source(%dma_start3A_5 : memref<5000xi32, #tpu.memory_space<hbm>>) target(%arg8 : memref<5000xi32, #tpu.memory_space<vmem>>) target_semaphore(%arg18 : memref<!tpu.dma_semaphore, #tpu.memory_space<semaphore_mem>>)
    %dma_wait3A = tpu.memref_slice %arg4[%multiple_of3A] : memref<160000xi32, #tpu.memory_space<hbm>> -> memref<5000xi32, #tpu.memory_space<hbm>>
    %dma_wait3A_6 = tpu.memref_slice %arg4[%multiple_of3A] : memref<160000xi32, #tpu.memory_space<hbm>> -> memref<5000xi32, #tpu.memory_space<hbm>>
    tpu.wait_dma2 semaphore(%arg14 : memref<!tpu.dma_semaphore, #tpu.memory_space<semaphore_mem>>) src(%dma_wait3A_6 : memref<5000xi32, #tpu.memory_space<hbm>>) dst(%arg7 : memref<5000xi32, #tpu.memory_space<vmem>>)
    %dma_wait3A_7 = tpu.memref_slice %arg5[%multiple_of3A] : memref<160000xi32, #tpu.memory_space<hbm>> -> memref<5000xi32, #tpu.memory_space<hbm>>
    %dma_wait3A_8 = tpu.memref_slice %arg5[%multiple_of3A] : memref<160000xi32, #tpu.memory_space<hbm>> -> memref<5000xi32, #tpu.memory_space<hbm>>
    tpu.wait_dma2 semaphore(%arg18 : memref<!tpu.dma_semaphore, #tpu.memory_space<semaphore_mem>>) src(%dma_wait3A_8 : memref<5000xi32, #tpu.memory_space<hbm>>) dst(%arg8 : memref<5000xi32, #tpu.memory_space<vmem>>)
    %multiple_of3A_9 = arith.constant 0 : i32
    %multiple_of3A_10 = tpu.assume_multiple %multiple_of3A_9, 8 : i32
    %dma_start3A_11 = tpu.memref_slice %arg7[%multiple_of3A_10] : memref<5000xi32, #tpu.memory_space<vmem>> -> memref<128xi32, #tpu.memory_space<vmem>>
    %dma_start3A_12 = arith.constant 0 : i32
    %dma_start3A_13 = arith.constant 0 : i32
    %dma_start3A_14 = tpu.memref_slice %arg2[%dma_start3A_12, %dma_start3A_13] : memref<10000x128xf32, #tpu.memory_space<hbm>> -> memref<10000x128xf32, #tpu.memory_space<hbm>>
    tpu.enqueue_indirect_dma source(%dma_start3A_14 : memref<10000x128xf32, #tpu.memory_space<hbm>>) target(%arg9 : memref<128x128xf32, #tpu.memory_space<vmem>>) offsets(%dma_start3A_11 : memref<128xi32, #tpu.memory_space<vmem>>) semaphore(%arg14 : memref<!tpu.dma_semaphore, #tpu.memory_space<semaphore_mem>>)
    %multiple_of3A_15 = arith.constant 128 : i32
    %multiple_of3A_16 = tpu.assume_multiple %multiple_of3A_15, 8 : i32
    %dma_start3A_17 = tpu.memref_slice %arg7[%multiple_of3A_16] : memref<5000xi32, #tpu.memory_space<vmem>> -> memref<128xi32, #tpu.memory_space<vmem>>
    %dma_start3A_18 = arith.constant 0 : i32
    %dma_start3A_19 = arith.constant 0 : i32
    %dma_start3A_20 = tpu.memref_slice %arg2[%dma_start3A_18, %dma_start3A_19] : memref<10000x128xf32, #tpu.memory_space<hbm>> -> memref<10000x128xf32, #tpu.memory_space<hbm>>
    tpu.enqueue_indirect_dma source(%dma_start3A_20 : memref<10000x128xf32, #tpu.memory_space<hbm>>) target(%arg10 : memref<128x128xf32, #tpu.memory_space<vmem>>) offsets(%dma_start3A_17 : memref<128xi32, #tpu.memory_space<vmem>>) semaphore(%arg15 : memref<!tpu.dma_semaphore, #tpu.memory_space<semaphore_mem>>)
    %multiple_of3A_21 = arith.constant 256 : i32
    %multiple_of3A_22 = tpu.assume_multiple %multiple_of3A_21, 8 : i32
    %dma_start3A_23 = tpu.memref_slice %arg7[%multiple_of3A_22] : memref<5000xi32, #tpu.memory_space<vmem>> -> memref<128xi32, #tpu.memory_space<vmem>>
    %dma_start3A_24 = arith.constant 0 : i32
    %dma_start3A_25 = arith.constant 0 : i32
    %dma_start3A_26 = tpu.memref_slice %arg2[%dma_start3A_24, %dma_start3A_25] : memref<10000x128xf32, #tpu.memory_space<hbm>> -> memref<10000x128xf32, #tpu.memory_space<hbm>>
    tpu.enqueue_indirect_dma source(%dma_start3A_26 : memref<10000x128xf32, #tpu.memory_space<hbm>>) target(%arg11 : memref<128x128xf32, #tpu.memory_space<vmem>>) offsets(%dma_start3A_23 : memref<128xi32, #tpu.memory_space<vmem>>) semaphore(%arg16 : memref<!tpu.dma_semaphore, #tpu.memory_space<semaphore_mem>>)
    %multiple_of3A_27 = arith.constant 384 : i32
    %multiple_of3A_28 = tpu.assume_multiple %multiple_of3A_27, 8 : i32
    %dma_start3A_29 = tpu.memref_slice %arg7[%multiple_of3A_28] : memref<5000xi32, #tpu.memory_space<vmem>> -> memref<128xi32, #tpu.memory_space<vmem>>
    %dma_start3A_30 = arith.constant 0 : i32
    %dma_start3A_31 = arith.constant 0 : i32
    %dma_start3A_32 = tpu.memref_slice %arg2[%dma_start3A_30, %dma_start3A_31] : memref<10000x128xf32, #tpu.memory_space<hbm>> -> memref<10000x128xf32, #tpu.memory_space<hbm>>
    tpu.enqueue_indirect_dma source(%dma_start3A_32 : memref<10000x128xf32, #tpu.memory_space<hbm>>) target(%arg12 : memref<128x128xf32, #tpu.memory_space<vmem>>) offsets(%dma_start3A_29 : memref<128xi32, #tpu.memory_space<vmem>>) semaphore(%arg17 : memref<!tpu.dma_semaphore, #tpu.memory_space<semaphore_mem>>)
    %dma_wait3A_33 = tpu.memref_slice %arg7[%multiple_of3A_10] : memref<5000xi32, #tpu.memory_space<vmem>> -> memref<128xi32, #tpu.memory_space<vmem>>
    %dma_wait3A_34 = arith.constant 0 : i32
    %dma_wait3A_35 = arith.constant 0 : i32
    %dma_wait3A_36 = tpu.memref_slice %arg2[%dma_wait3A_34, %dma_wait3A_35] : memref<10000x128xf32, #tpu.memory_space<hbm>> -> memref<10000x128xf32, #tpu.memory_space<hbm>>
    tpu.wait_indirect_dma semaphore(%arg14 : memref<!tpu.dma_semaphore, #tpu.memory_space<semaphore_mem>>) src(%dma_wait3A_36 : memref<10000x128xf32, #tpu.memory_space<hbm>>) dst(%arg9 : memref<128x128xf32, #tpu.memory_space<vmem>>)
    %multiple_of3A_37 = arith.constant 0 : i32
    %multiple_of3A_38 = tpu.assume_multiple %multiple_of3A_37, 8 : i32
    %dma_start3A_39 = tpu.memref_slice %arg8[%multiple_of3A_38] : memref<5000xi32, #tpu.memory_space<vmem>> -> memref<128xi32, #tpu.memory_space<vmem>>
    %dma_start3A_40 = arith.constant 0 : i32
    %dma_start3A_41 = arith.constant 0 : i32
    %dma_start3A_42 = tpu.memref_slice %arg3[%dma_start3A_40, %dma_start3A_41] : memref<10000x128xf32, #tpu.memory_space<hbm>> -> memref<10000x128xf32, #tpu.memory_space<hbm>>
    tpu.enqueue_indirect_dma source(%dma_start3A_42 : memref<10000x128xf32, #tpu.memory_space<hbm>>) target(%arg9 : memref<128x128xf32, #tpu.memory_space<vmem>>) offsets(%dma_start3A_39 : memref<128xi32, #tpu.memory_space<vmem>>) semaphore(%arg18 : memref<!tpu.dma_semaphore, #tpu.memory_space<semaphore_mem>>) {add = true}
    %dma_wait3A_43 = tpu.memref_slice %arg7[%multiple_of3A_16] : memref<5000xi32, #tpu.memory_space<vmem>> -> memref<128xi32, #tpu.memory_space<vmem>>
    %dma_wait3A_44 = arith.constant 0 : i32
    %dma_wait3A_45 = arith.constant 0 : i32
    %dma_wait3A_46 = tpu.memref_slice %arg2[%dma_wait3A_44, %dma_wait3A_45] : memref<10000x128xf32, #tpu.memory_space<hbm>> -> memref<10000x128xf32, #tpu.memory_space<hbm>>
    tpu.wait_indirect_dma semaphore(%arg15 : memref<!tpu.dma_semaphore, #tpu.memory_space<semaphore_mem>>) src(%dma_wait3A_46 : memref<10000x128xf32, #tpu.memory_space<hbm>>) dst(%arg10 : memref<128x128xf32, #tpu.memory_space<vmem>>)
    %multiple_of3A_47 = arith.constant 128 : i32
    %multiple_of3A_48 = tpu.assume_multiple %multiple_of3A_47, 8 : i32
    %dma_start3A_49 = tpu.memref_slice %arg8[%multiple_of3A_48] : memref<5000xi32, #tpu.memory_space<vmem>> -> memref<128xi32, #tpu.memory_space<vmem>>
    %dma_start3A_50 = arith.constant 0 : i32
    %dma_start3A_51 = arith.constant 0 : i32
    %dma_start3A_52 = tpu.memref_slice %arg3[%dma_start3A_50, %dma_start3A_51] : memref<10000x128xf32, #tpu.memory_space<hbm>> -> memref<10000x128xf32, #tpu.memory_space<hbm>>
    tpu.enqueue_indirect_dma source(%dma_start3A_52 : memref<10000x128xf32, #tpu.memory_space<hbm>>) target(%arg10 : memref<128x128xf32, #tpu.memory_space<vmem>>) offsets(%dma_start3A_49 : memref<128xi32, #tpu.memory_space<vmem>>) semaphore(%arg19 : memref<!tpu.dma_semaphore, #tpu.memory_space<semaphore_mem>>) {add = true}
    %dma_wait3A_53 = tpu.memref_slice %arg7[%multiple_of3A_22] : memref<5000xi32, #tpu.memory_space<vmem>> -> memref<128xi32, #tpu.memory_space<vmem>>
    %dma_wait3A_54 = arith.constant 0 : i32
    %dma_wait3A_55 = arith.constant 0 : i32
    %dma_wait3A_56 = tpu.memref_slice %arg2[%dma_wait3A_54, %dma_wait3A_55] : memref<10000x128xf32, #tpu.memory_space<hbm>> -> memref<10000x128xf32, #tpu.memory_space<hbm>>
    tpu.wait_indirect_dma semaphore(%arg16 : memref<!tpu.dma_semaphore, #tpu.memory_space<semaphore_mem>>) src(%dma_wait3A_56 : memref<10000x128xf32, #tpu.memory_space<hbm>>) dst(%arg11 : memref<128x128xf32, #tpu.memory_space<vmem>>)
    %multiple_of3A_57 = arith.constant 256 : i32
    %multiple_of3A_58 = tpu.assume_multiple %multiple_of3A_57, 8 : i32
    %dma_start3A_59 = tpu.memref_slice %arg8[%multiple_of3A_58] : memref<5000xi32, #tpu.memory_space<vmem>> -> memref<128xi32, #tpu.memory_space<vmem>>
    %dma_start3A_60 = arith.constant 0 : i32
    %dma_start3A_61 = arith.constant 0 : i32
    %dma_start3A_62 = tpu.memref_slice %arg3[%dma_start3A_60, %dma_start3A_61] : memref<10000x128xf32, #tpu.memory_space<hbm>> -> memref<10000x128xf32, #tpu.memory_space<hbm>>
    tpu.enqueue_indirect_dma source(%dma_start3A_62 : memref<10000x128xf32, #tpu.memory_space<hbm>>) target(%arg11 : memref<128x128xf32, #tpu.memory_space<vmem>>) offsets(%dma_start3A_59 : memref<128xi32, #tpu.memory_space<vmem>>) semaphore(%arg20 : memref<!tpu.dma_semaphore, #tpu.memory_space<semaphore_mem>>) {add = true}
    %dma_wait3A_63 = tpu.memref_slice %arg7[%multiple_of3A_28] : memref<5000xi32, #tpu.memory_space<vmem>> -> memref<128xi32, #tpu.memory_space<vmem>>
    %dma_wait3A_64 = arith.constant 0 : i32
    %dma_wait3A_65 = arith.constant 0 : i32
    %dma_wait3A_66 = tpu.memref_slice %arg2[%dma_wait3A_64, %dma_wait3A_65] : memref<10000x128xf32, #tpu.memory_space<hbm>> -> memref<10000x128xf32, #tpu.memory_space<hbm>>
    tpu.wait_indirect_dma semaphore(%arg17 : memref<!tpu.dma_semaphore, #tpu.memory_space<semaphore_mem>>) src(%dma_wait3A_66 : memref<10000x128xf32, #tpu.memory_space<hbm>>) dst(%arg12 : memref<128x128xf32, #tpu.memory_space<vmem>>)
    %multiple_of3A_67 = arith.constant 384 : i32
    %multiple_of3A_68 = tpu.assume_multiple %multiple_of3A_67, 8 : i32
    %dma_start3A_69 = tpu.memref_slice %arg8[%multiple_of3A_68] : memref<5000xi32, #tpu.memory_space<vmem>> -> memref<128xi32, #tpu.memory_space<vmem>>
    %dma_start3A_70 = arith.constant 0 : i32
    %dma_start3A_71 = arith.constant 0 : i32
    %dma_start3A_72 = tpu.memref_slice %arg3[%dma_start3A_70, %dma_start3A_71] : memref<10000x128xf32, #tpu.memory_space<hbm>> -> memref<10000x128xf32, #tpu.memory_space<hbm>>
    tpu.enqueue_indirect_dma source(%dma_start3A_72 : memref<10000x128xf32, #tpu.memory_space<hbm>>) target(%arg12 : memref<128x128xf32, #tpu.memory_space<vmem>>) offsets(%dma_start3A_69 : memref<128xi32, #tpu.memory_space<vmem>>) semaphore(%arg21 : memref<!tpu.dma_semaphore, #tpu.memory_space<semaphore_mem>>) {add = true}
    %dma_wait3A_73 = tpu.memref_slice %arg8[%multiple_of3A_38] : memref<5000xi32, #tpu.memory_space<vmem>> -> memref<128xi32, #tpu.memory_space<vmem>>
    %dma_wait3A_74 = arith.constant 0 : i32
    %dma_wait3A_75 = arith.constant 0 : i32
    %dma_wait3A_76 = tpu.memref_slice %arg3[%dma_wait3A_74, %dma_wait3A_75] : memref<10000x128xf32, #tpu.memory_space<hbm>> -> memref<10000x128xf32, #tpu.memory_space<hbm>>
    tpu.wait_indirect_dma semaphore(%arg18 : memref<!tpu.dma_semaphore, #tpu.memory_space<semaphore_mem>>) src(%dma_wait3A_76 : memref<10000x128xf32, #tpu.memory_space<hbm>>) dst(%arg9 : memref<128x128xf32, #tpu.memory_space<vmem>>)
    %add3A_77 = arith.constant 0 : i32
    %add3A_78 = arith.addi %multiple_of3A, %add3A_77 : i32
    %multiple_of3A_79 = tpu.assume_multiple %add3A_78, 8 : i32
    %dma_start3A_80 = arith.constant 0 : i32
    %dma_start3A_81 = tpu.memref_slice %arg6[%multiple_of3A_79, %dma_start3A_80] : memref<160000x128xf32, #tpu.memory_space<hbm>> -> memref<128x128xf32, #tpu.memory_space<hbm>>
    %dma_start3A_82 = arith.constant 0 : i32
    %dma_start3A_83 = tpu.memref_slice %arg6[%multiple_of3A_79, %dma_start3A_82] : memref<160000x128xf32, #tpu.memory_space<hbm>> -> memref<128x128xf32, #tpu.memory_space<hbm>>
    tpu.enqueue_dma source(%arg9 : memref<128x128xf32, #tpu.memory_space<vmem>>) target(%dma_start3A_83 : memref<128x128xf32, #tpu.memory_space<hbm>>) target_semaphore(%arg22 : memref<!tpu.dma_semaphore, #tpu.memory_space<semaphore_mem>>)
    %dma_wait3A_84 = tpu.memref_slice %arg8[%multiple_of3A_48] : memref<5000xi32, #tpu.memory_space<vmem>> -> memref<128xi32, #tpu.memory_space<vmem>>
    %dma_wait3A_85 = arith.constant 0 : i32
    %dma_wait3A_86 = arith.constant 0 : i32
    %dma_wait3A_87 = tpu.memref_slice %arg3[%dma_wait3A_85, %dma_wait3A_86] : memref<10000x128xf32, #tpu.memory_space<hbm>> -> memref<10000x128xf32, #tpu.memory_space<hbm>>
    tpu.wait_indirect_dma semaphore(%arg19 : memref<!tpu.dma_semaphore, #tpu.memory_space<semaphore_mem>>) src(%dma_wait3A_87 : memref<10000x128xf32, #tpu.memory_space<hbm>>) dst(%arg10 : memref<128x128xf32, #tpu.memory_space<vmem>>)
    %add3A_88 = arith.constant 128 : i32
    %add3A_89 = arith.addi %multiple_of3A, %add3A_88 : i32
    %multiple_of3A_90 = tpu.assume_multiple %add3A_89, 8 : i32
    %dma_start3A_91 = arith.constant 0 : i32
    %dma_start3A_92 = tpu.memref_slice %arg6[%multiple_of3A_90, %dma_start3A_91] : memref<160000x128xf32, #tpu.memory_space<hbm>> -> memref<128x128xf32, #tpu.memory_space<hbm>>
    %dma_start3A_93 = arith.constant 0 : i32
    %dma_start3A_94 = tpu.memref_slice %arg6[%multiple_of3A_90, %dma_start3A_93] : memref<160000x128xf32, #tpu.memory_space<hbm>> -> memref<128x128xf32, #tpu.memory_space<hbm>>
    tpu.enqueue_dma source(%arg10 : memref<128x128xf32, #tpu.memory_space<vmem>>) target(%dma_start3A_94 : memref<128x128xf32, #tpu.memory_space<hbm>>) target_semaphore(%arg23 : memref<!tpu.dma_semaphore, #tpu.memory_space<semaphore_mem>>)
    %dma_wait3A_95 = tpu.memref_slice %arg8[%multiple_of3A_58] : memref<5000xi32, #tpu.memory_space<vmem>> -> memref<128xi32, #tpu.memory_space<vmem>>
    %dma_wait3A_96 = arith.constant 0 : i32
    %dma_wait3A_97 = arith.constant 0 : i32
    %dma_wait3A_98 = tpu.memref_slice %arg3[%dma_wait3A_96, %dma_wait3A_97] : memref<10000x128xf32, #tpu.memory_space<hbm>> -> memref<10000x128xf32, #tpu.memory_space<hbm>>
    tpu.wait_indirect_dma semaphore(%arg20 : memref<!tpu.dma_semaphore, #tpu.memory_space<semaphore_mem>>) src(%dma_wait3A_98 : memref<10000x128xf32, #tpu.memory_space<hbm>>) dst(%arg11 : memref<128x128xf32, #tpu.memory_space<vmem>>)
    %add3A_99 = arith.constant 256 : i32
    %add3A_100 = arith.addi %multiple_of3A, %add3A_99 : i32
    %multiple_of3A_101 = tpu.assume_multiple %add3A_100, 8 : i32
    %dma_start3A_102 = arith.constant 0 : i32
    %dma_start3A_103 = tpu.memref_slice %arg6[%multiple_of3A_101, %dma_start3A_102] : memref<160000x128xf32, #tpu.memory_space<hbm>> -> memref<128x128xf32, #tpu.memory_space<hbm>>
    %dma_start3A_104 = arith.constant 0 : i32
    %dma_start3A_105 = tpu.memref_slice %arg6[%multiple_of3A_101, %dma_start3A_104] : memref<160000x128xf32, #tpu.memory_space<hbm>> -> memref<128x128xf32, #tpu.memory_space<hbm>>
    tpu.enqueue_dma source(%arg11 : memref<128x128xf32, #tpu.memory_space<vmem>>) target(%dma_start3A_105 : memref<128x128xf32, #tpu.memory_space<hbm>>) target_semaphore(%arg24 : memref<!tpu.dma_semaphore, #tpu.memory_space<semaphore_mem>>)
    %dma_wait3A_106 = tpu.memref_slice %arg8[%multiple_of3A_68] : memref<5000xi32, #tpu.memory_space<vmem>> -> memref<128xi32, #tpu.memory_space<vmem>>
    %dma_wait3A_107 = arith.constant 0 : i32
    %dma_wait3A_108 = arith.constant 0 : i32
    %dma_wait3A_109 = tpu.memref_slice %arg3[%dma_wait3A_107, %dma_wait3A_108] : memref<10000x128xf32, #tpu.memory_space<hbm>> -> memref<10000x128xf32, #tpu.memory_space<hbm>>
    tpu.wait_indirect_dma semaphore(%arg21 : memref<!tpu.dma_semaphore, #tpu.memory_space<semaphore_mem>>) src(%dma_wait3A_109 : memref<10000x128xf32, #tpu.memory_space<hbm>>) dst(%arg12 : memref<128x128xf32, #tpu.memory_space<vmem>>)
    %add3A_110 = arith.constant 384 : i32
    %add3A_111 = arith.addi %multiple_of3A, %add3A_110 : i32
    %multiple_of3A_112 = tpu.assume_multiple %add3A_111, 8 : i32
    %dma_start3A_113 = arith.constant 0 : i32
    %dma_start3A_114 = tpu.memref_slice %arg6[%multiple_of3A_112, %dma_start3A_113] : memref<160000x128xf32, #tpu.memory_space<hbm>> -> memref<128x128xf32, #tpu.memory_space<hbm>>
    %dma_start3A_115 = arith.constant 0 : i32
    %dma_start3A_116 = tpu.memref_slice %arg6[%multiple_of3A_112, %dma_start3A_115] : memref<160000x128xf32, #tpu.memory_space<hbm>> -> memref<128x128xf32, #tpu.memory_space<hbm>>
    tpu.enqueue_dma source(%arg12 : memref<128x128xf32, #tpu.memory_space<vmem>>) target(%dma_start3A_116 : memref<128x128xf32, #tpu.memory_space<hbm>>) target_semaphore(%arg25 : memref<!tpu.dma_semaphore, #tpu.memory_space<semaphore_mem>>)
    %scan3A = arith.constant 0 : i32
    %scan3A_117 = arith.constant 1 : i32
    %scan3A_118 = arith.constant 8 : i32
    %scan3A_119 = arith.addi %scan3A_117, %scan3A_118 : i32
    %scan3A_120 = arith.constant 1 : i32
    scf.for %scan3A_270 = %scan3A_117 to %scan3A_119 step %scan3A_120  : i32 {
      %mul3A_271 = arith.constant 4 : i32
      %mul3A_272 = arith.muli %mul3A_271, %scan3A_270 : i32
      %dma_wait3A_273 = arith.constant 0 : i32
      %dma_wait3A_274 = arith.constant 0 : i32
      %dma_wait3A_275 = tpu.memref_slice %arg6[%dma_wait3A_273, %dma_wait3A_274] : memref<160000x128xf32, #tpu.memory_space<hbm>> -> memref<128x128xf32, #tpu.memory_space<hbm>>
      %dma_wait3A_276 = arith.constant 0 : i32
      %dma_wait3A_277 = arith.constant 0 : i32
      %dma_wait3A_278 = tpu.memref_slice %arg6[%dma_wait3A_276, %dma_wait3A_277] : memref<160000x128xf32, #tpu.memory_space<hbm>> -> memref<128x128xf32, #tpu.memory_space<hbm>>
      tpu.wait_dma2 semaphore(%arg22 : memref<!tpu.dma_semaphore, #tpu.memory_space<semaphore_mem>>) src(%dma_wait3A_278 : memref<128x128xf32, #tpu.memory_space<hbm>>) dst(%arg9 : memref<128x128xf32, #tpu.memory_space<vmem>>)
      %add3A_279 = arith.constant 0 : i32
      %add3A_280 = arith.addi %mul3A_272, %add3A_279 : i32
      %mul3A_281 = arith.constant 128 : i32
      %mul3A_282 = arith.muli %add3A_280, %mul3A_281 : i32
      %multiple_of3A_283 = tpu.assume_multiple %mul3A_282, 8 : i32
      %dma_start3A_284 = tpu.memref_slice %arg7[%multiple_of3A_283] : memref<5000xi32, #tpu.memory_space<vmem>> -> memref<128xi32, #tpu.memory_space<vmem>>
      %dma_start3A_285 = arith.constant 0 : i32
      %dma_start3A_286 = arith.constant 0 : i32
      %dma_start3A_287 = tpu.memref_slice %arg2[%dma_start3A_285, %dma_start3A_286] : memref<10000x128xf32, #tpu.memory_space<hbm>> -> memref<10000x128xf32, #tpu.memory_space<hbm>>
      tpu.enqueue_indirect_dma source(%dma_start3A_287 : memref<10000x128xf32, #tpu.memory_space<hbm>>) target(%arg9 : memref<128x128xf32, #tpu.memory_space<vmem>>) offsets(%dma_start3A_284 : memref<128xi32, #tpu.memory_space<vmem>>) semaphore(%arg14 : memref<!tpu.dma_semaphore, #tpu.memory_space<semaphore_mem>>)
      %dma_wait3A_288 = arith.constant 0 : i32
      %dma_wait3A_289 = arith.constant 0 : i32
      %dma_wait3A_290 = tpu.memref_slice %arg6[%dma_wait3A_288, %dma_wait3A_289] : memref<160000x128xf32, #tpu.memory_space<hbm>> -> memref<128x128xf32, #tpu.memory_space<hbm>>
      %dma_wait3A_291 = arith.constant 0 : i32
      %dma_wait3A_292 = arith.constant 0 : i32
      %dma_wait3A_293 = tpu.memref_slice %arg6[%dma_wait3A_291, %dma_wait3A_292] : memref<160000x128xf32, #tpu.memory_space<hbm>> -> memref<128x128xf32, #tpu.memory_space<hbm>>
      tpu.wait_dma2 semaphore(%arg23 : memref<!tpu.dma_semaphore, #tpu.memory_space<semaphore_mem>>) src(%dma_wait3A_293 : memref<128x128xf32, #tpu.memory_space<hbm>>) dst(%arg10 : memref<128x128xf32, #tpu.memory_space<vmem>>)
      %add3A_294 = arith.constant 1 : i32
      %add3A_295 = arith.addi %mul3A_272, %add3A_294 : i32
      %mul3A_296 = arith.constant 128 : i32
      %mul3A_297 = arith.muli %add3A_295, %mul3A_296 : i32
      %multiple_of3A_298 = tpu.assume_multiple %mul3A_297, 8 : i32
      %dma_start3A_299 = tpu.memref_slice %arg7[%multiple_of3A_298] : memref<5000xi32, #tpu.memory_space<vmem>> -> memref<128xi32, #tpu.memory_space<vmem>>
      %dma_start3A_300 = arith.constant 0 : i32
      %dma_start3A_301 = arith.constant 0 : i32
      %dma_start3A_302 = tpu.memref_slice %arg2[%dma_start3A_300, %dma_start3A_301] : memref<10000x128xf32, #tpu.memory_space<hbm>> -> memref<10000x128xf32, #tpu.memory_space<hbm>>
      tpu.enqueue_indirect_dma source(%dma_start3A_302 : memref<10000x128xf32, #tpu.memory_space<hbm>>) target(%arg10 : memref<128x128xf32, #tpu.memory_space<vmem>>) offsets(%dma_start3A_299 : memref<128xi32, #tpu.memory_space<vmem>>) semaphore(%arg15 : memref<!tpu.dma_semaphore, #tpu.memory_space<semaphore_mem>>)
      %dma_wait3A_303 = arith.constant 0 : i32
      %dma_wait3A_304 = arith.constant 0 : i32
      %dma_wait3A_305 = tpu.memref_slice %arg6[%dma_wait3A_303, %dma_wait3A_304] : memref<160000x128xf32, #tpu.memory_space<hbm>> -> memref<128x128xf32, #tpu.memory_space<hbm>>
      %dma_wait3A_306 = arith.constant 0 : i32
      %dma_wait3A_307 = arith.constant 0 : i32
      %dma_wait3A_308 = tpu.memref_slice %arg6[%dma_wait3A_306, %dma_wait3A_307] : memref<160000x128xf32, #tpu.memory_space<hbm>> -> memref<128x128xf32, #tpu.memory_space<hbm>>
      tpu.wait_dma2 semaphore(%arg24 : memref<!tpu.dma_semaphore, #tpu.memory_space<semaphore_mem>>) src(%dma_wait3A_308 : memref<128x128xf32, #tpu.memory_space<hbm>>) dst(%arg11 : memref<128x128xf32, #tpu.memory_space<vmem>>)
      %add3A_309 = arith.constant 2 : i32
      %add3A_310 = arith.addi %mul3A_272, %add3A_309 : i32
      %mul3A_311 = arith.constant 128 : i32
      %mul3A_312 = arith.muli %add3A_310, %mul3A_311 : i32
      %multiple_of3A_313 = tpu.assume_multiple %mul3A_312, 8 : i32
      %dma_start3A_314 = tpu.memref_slice %arg7[%multiple_of3A_313] : memref<5000xi32, #tpu.memory_space<vmem>> -> memref<128xi32, #tpu.memory_space<vmem>>
      %dma_start3A_315 = arith.constant 0 : i32
      %dma_start3A_316 = arith.constant 0 : i32
      %dma_start3A_317 = tpu.memref_slice %arg2[%dma_start3A_315, %dma_start3A_316] : memref<10000x128xf32, #tpu.memory_space<hbm>> -> memref<10000x128xf32, #tpu.memory_space<hbm>>
      tpu.enqueue_indirect_dma source(%dma_start3A_317 : memref<10000x128xf32, #tpu.memory_space<hbm>>) target(%arg11 : memref<128x128xf32, #tpu.memory_space<vmem>>) offsets(%dma_start3A_314 : memref<128xi32, #tpu.memory_space<vmem>>) semaphore(%arg16 : memref<!tpu.dma_semaphore, #tpu.memory_space<semaphore_mem>>)
      %dma_wait3A_318 = arith.constant 0 : i32
      %dma_wait3A_319 = arith.constant 0 : i32
      %dma_wait3A_320 = tpu.memref_slice %arg6[%dma_wait3A_318, %dma_wait3A_319] : memref<160000x128xf32, #tpu.memory_space<hbm>> -> memref<128x128xf32, #tpu.memory_space<hbm>>
      %dma_wait3A_321 = arith.constant 0 : i32
      %dma_wait3A_322 = arith.constant 0 : i32
      %dma_wait3A_323 = tpu.memref_slice %arg6[%dma_wait3A_321, %dma_wait3A_322] : memref<160000x128xf32, #tpu.memory_space<hbm>> -> memref<128x128xf32, #tpu.memory_space<hbm>>
      tpu.wait_dma2 semaphore(%arg25 : memref<!tpu.dma_semaphore, #tpu.memory_space<semaphore_mem>>) src(%dma_wait3A_323 : memref<128x128xf32, #tpu.memory_space<hbm>>) dst(%arg12 : memref<128x128xf32, #tpu.memory_space<vmem>>)
      %add3A_324 = arith.constant 3 : i32
      %add3A_325 = arith.addi %mul3A_272, %add3A_324 : i32
      %mul3A_326 = arith.constant 128 : i32
      %mul3A_327 = arith.muli %add3A_325, %mul3A_326 : i32
      %multiple_of3A_328 = tpu.assume_multiple %mul3A_327, 8 : i32
      %dma_start3A_329 = tpu.memref_slice %arg7[%multiple_of3A_328] : memref<5000xi32, #tpu.memory_space<vmem>> -> memref<128xi32, #tpu.memory_space<vmem>>
      %dma_start3A_330 = arith.constant 0 : i32
      %dma_start3A_331 = arith.constant 0 : i32
      %dma_start3A_332 = tpu.memref_slice %arg2[%dma_start3A_330, %dma_start3A_331] : memref<10000x128xf32, #tpu.memory_space<hbm>> -> memref<10000x128xf32, #tpu.memory_space<hbm>>
      tpu.enqueue_indirect_dma source(%dma_start3A_332 : memref<10000x128xf32, #tpu.memory_space<hbm>>) target(%arg12 : memref<128x128xf32, #tpu.memory_space<vmem>>) offsets(%dma_start3A_329 : memref<128xi32, #tpu.memory_space<vmem>>) semaphore(%arg17 : memref<!tpu.dma_semaphore, #tpu.memory_space<semaphore_mem>>)
      %dma_wait3A_333 = tpu.memref_slice %arg7[%multiple_of3A_283] : memref<5000xi32, #tpu.memory_space<vmem>> -> memref<128xi32, #tpu.memory_space<vmem>>
      %dma_wait3A_334 = arith.constant 0 : i32
      %dma_wait3A_335 = arith.constant 0 : i32
      %dma_wait3A_336 = tpu.memref_slice %arg2[%dma_wait3A_334, %dma_wait3A_335] : memref<10000x128xf32, #tpu.memory_space<hbm>> -> memref<10000x128xf32, #tpu.memory_space<hbm>>
      tpu.wait_indirect_dma semaphore(%arg14 : memref<!tpu.dma_semaphore, #tpu.memory_space<semaphore_mem>>) src(%dma_wait3A_336 : memref<10000x128xf32, #tpu.memory_space<hbm>>) dst(%arg9 : memref<128x128xf32, #tpu.memory_space<vmem>>)
      %add3A_337 = arith.constant 0 : i32
      %add3A_338 = arith.addi %mul3A_272, %add3A_337 : i32
      %mul3A_339 = arith.constant 128 : i32
      %mul3A_340 = arith.muli %add3A_338, %mul3A_339 : i32
      %multiple_of3A_341 = tpu.assume_multiple %mul3A_340, 8 : i32
      %dma_start3A_342 = tpu.memref_slice %arg8[%multiple_of3A_341] : memref<5000xi32, #tpu.memory_space<vmem>> -> memref<128xi32, #tpu.memory_space<vmem>>
      %dma_start3A_343 = arith.constant 0 : i32
      %dma_start3A_344 = arith.constant 0 : i32
      %dma_start3A_345 = tpu.memref_slice %arg3[%dma_start3A_343, %dma_start3A_344] : memref<10000x128xf32, #tpu.memory_space<hbm>> -> memref<10000x128xf32, #tpu.memory_space<hbm>>
      tpu.enqueue_indirect_dma source(%dma_start3A_345 : memref<10000x128xf32, #tpu.memory_space<hbm>>) target(%arg9 : memref<128x128xf32, #tpu.memory_space<vmem>>) offsets(%dma_start3A_342 : memref<128xi32, #tpu.memory_space<vmem>>) semaphore(%arg18 : memref<!tpu.dma_semaphore, #tpu.memory_space<semaphore_mem>>) {add = true}
      %dma_wait3A_346 = tpu.memref_slice %arg7[%multiple_of3A_298] : memref<5000xi32, #tpu.memory_space<vmem>> -> memref<128xi32, #tpu.memory_space<vmem>>
      %dma_wait3A_347 = arith.constant 0 : i32
      %dma_wait3A_348 = arith.constant 0 : i32
      %dma_wait3A_349 = tpu.memref_slice %arg2[%dma_wait3A_347, %dma_wait3A_348] : memref<10000x128xf32, #tpu.memory_space<hbm>> -> memref<10000x128xf32, #tpu.memory_space<hbm>>
      tpu.wait_indirect_dma semaphore(%arg15 : memref<!tpu.dma_semaphore, #tpu.memory_space<semaphore_mem>>) src(%dma_wait3A_349 : memref<10000x128xf32, #tpu.memory_space<hbm>>) dst(%arg10 : memref<128x128xf32, #tpu.memory_space<vmem>>)
      %add3A_350 = arith.constant 1 : i32
      %add3A_351 = arith.addi %mul3A_272, %add3A_350 : i32
      %mul3A_352 = arith.constant 128 : i32
      %mul3A_353 = arith.muli %add3A_351, %mul3A_352 : i32
      %multiple_of3A_354 = tpu.assume_multiple %mul3A_353, 8 : i32
      %dma_start3A_355 = tpu.memref_slice %arg8[%multiple_of3A_354] : memref<5000xi32, #tpu.memory_space<vmem>> -> memref<128xi32, #tpu.memory_space<vmem>>
      %dma_start3A_356 = arith.constant 0 : i32
      %dma_start3A_357 = arith.constant 0 : i32
      %dma_start3A_358 = tpu.memref_slice %arg3[%dma_start3A_356, %dma_start3A_357] : memref<10000x128xf32, #tpu.memory_space<hbm>> -> memref<10000x128xf32, #tpu.memory_space<hbm>>
      tpu.enqueue_indirect_dma source(%dma_start3A_358 : memref<10000x128xf32, #tpu.memory_space<hbm>>) target(%arg10 : memref<128x128xf32, #tpu.memory_space<vmem>>) offsets(%dma_start3A_355 : memref<128xi32, #tpu.memory_space<vmem>>) semaphore(%arg19 : memref<!tpu.dma_semaphore, #tpu.memory_space<semaphore_mem>>) {add = true}
      %dma_wait3A_359 = tpu.memref_slice %arg7[%multiple_of3A_313] : memref<5000xi32, #tpu.memory_space<vmem>> -> memref<128xi32, #tpu.memory_space<vmem>>
      %dma_wait3A_360 = arith.constant 0 : i32
      %dma_wait3A_361 = arith.constant 0 : i32
      %dma_wait3A_362 = tpu.memref_slice %arg2[%dma_wait3A_360, %dma_wait3A_361] : memref<10000x128xf32, #tpu.memory_space<hbm>> -> memref<10000x128xf32, #tpu.memory_space<hbm>>
      tpu.wait_indirect_dma semaphore(%arg16 : memref<!tpu.dma_semaphore, #tpu.memory_space<semaphore_mem>>) src(%dma_wait3A_362 : memref<10000x128xf32, #tpu.memory_space<hbm>>) dst(%arg11 : memref<128x128xf32, #tpu.memory_space<vmem>>)
      %add3A_363 = arith.constant 2 : i32
      %add3A_364 = arith.addi %mul3A_272, %add3A_363 : i32
      %mul3A_365 = arith.constant 128 : i32
      %mul3A_366 = arith.muli %add3A_364, %mul3A_365 : i32
      %multiple_of3A_367 = tpu.assume_multiple %mul3A_366, 8 : i32
      %dma_start3A_368 = tpu.memref_slice %arg8[%multiple_of3A_367] : memref<5000xi32, #tpu.memory_space<vmem>> -> memref<128xi32, #tpu.memory_space<vmem>>
      %dma_start3A_369 = arith.constant 0 : i32
      %dma_start3A_370 = arith.constant 0 : i32
      %dma_start3A_371 = tpu.memref_slice %arg3[%dma_start3A_369, %dma_start3A_370] : memref<10000x128xf32, #tpu.memory_space<hbm>> -> memref<10000x128xf32, #tpu.memory_space<hbm>>
      tpu.enqueue_indirect_dma source(%dma_start3A_371 : memref<10000x128xf32, #tpu.memory_space<hbm>>) target(%arg11 : memref<128x128xf32, #tpu.memory_space<vmem>>) offsets(%dma_start3A_368 : memref<128xi32, #tpu.memory_space<vmem>>) semaphore(%arg20 : memref<!tpu.dma_semaphore, #tpu.memory_space<semaphore_mem>>) {add = true}
      %dma_wait3A_372 = tpu.memref_slice %arg7[%multiple_of3A_328] : memref<5000xi32, #tpu.memory_space<vmem>> -> memref<128xi32, #tpu.memory_space<vmem>>
      %dma_wait3A_373 = arith.constant 0 : i32
      %dma_wait3A_374 = arith.constant 0 : i32
      %dma_wait3A_375 = tpu.memref_slice %arg2[%dma_wait3A_373, %dma_wait3A_374] : memref<10000x128xf32, #tpu.memory_space<hbm>> -> memref<10000x128xf32, #tpu.memory_space<hbm>>
      tpu.wait_indirect_dma semaphore(%arg17 : memref<!tpu.dma_semaphore, #tpu.memory_space<semaphore_mem>>) src(%dma_wait3A_375 : memref<10000x128xf32, #tpu.memory_space<hbm>>) dst(%arg12 : memref<128x128xf32, #tpu.memory_space<vmem>>)
      %add3A_376 = arith.constant 3 : i32
      %add3A_377 = arith.addi %mul3A_272, %add3A_376 : i32
      %mul3A_378 = arith.constant 128 : i32
      %mul3A_379 = arith.muli %add3A_377, %mul3A_378 : i32
      %multiple_of3A_380 = tpu.assume_multiple %mul3A_379, 8 : i32
      %dma_start3A_381 = tpu.memref_slice %arg8[%multiple_of3A_380] : memref<5000xi32, #tpu.memory_space<vmem>> -> memref<128xi32, #tpu.memory_space<vmem>>
      %dma_start3A_382 = arith.constant 0 : i32
      %dma_start3A_383 = arith.constant 0 : i32
      %dma_start3A_384 = tpu.memref_slice %arg3[%dma_start3A_382, %dma_start3A_383] : memref<10000x128xf32, #tpu.memory_space<hbm>> -> memref<10000x128xf32, #tpu.memory_space<hbm>>
      tpu.enqueue_indirect_dma source(%dma_start3A_384 : memref<10000x128xf32, #tpu.memory_space<hbm>>) target(%arg12 : memref<128x128xf32, #tpu.memory_space<vmem>>) offsets(%dma_start3A_381 : memref<128xi32, #tpu.memory_space<vmem>>) semaphore(%arg21 : memref<!tpu.dma_semaphore, #tpu.memory_space<semaphore_mem>>) {add = true}
      %dma_wait3A_385 = tpu.memref_slice %arg8[%multiple_of3A_341] : memref<5000xi32, #tpu.memory_space<vmem>> -> memref<128xi32, #tpu.memory_space<vmem>>
      %dma_wait3A_386 = arith.constant 0 : i32
      %dma_wait3A_387 = arith.constant 0 : i32
      %dma_wait3A_388 = tpu.memref_slice %arg3[%dma_wait3A_386, %dma_wait3A_387] : memref<10000x128xf32, #tpu.memory_space<hbm>> -> memref<10000x128xf32, #tpu.memory_space<hbm>>
      tpu.wait_indirect_dma semaphore(%arg18 : memref<!tpu.dma_semaphore, #tpu.memory_space<semaphore_mem>>) src(%dma_wait3A_388 : memref<10000x128xf32, #tpu.memory_space<hbm>>) dst(%arg9 : memref<128x128xf32, #tpu.memory_space<vmem>>)
      %add3A_389 = arith.constant 0 : i32
      %add3A_390 = arith.addi %mul3A_272, %add3A_389 : i32
      %mul3A_391 = arith.constant 128 : i32
      %mul3A_392 = arith.muli %add3A_390, %mul3A_391 : i32
      %add3A_393 = arith.addi %multiple_of3A, %mul3A_392 : i32
      %multiple_of3A_394 = tpu.assume_multiple %add3A_393, 8 : i32
      %dma_start3A_395 = arith.constant 0 : i32
      %dma_start3A_396 = tpu.memref_slice %arg6[%multiple_of3A_394, %dma_start3A_395] : memref<160000x128xf32, #tpu.memory_space<hbm>> -> memref<128x128xf32, #tpu.memory_space<hbm>>
      %dma_start3A_397 = arith.constant 0 : i32
      %dma_start3A_398 = tpu.memref_slice %arg6[%multiple_of3A_394, %dma_start3A_397] : memref<160000x128xf32, #tpu.memory_space<hbm>> -> memref<128x128xf32, #tpu.memory_space<hbm>>
      tpu.enqueue_dma source(%arg9 : memref<128x128xf32, #tpu.memory_space<vmem>>) target(%dma_start3A_398 : memref<128x128xf32, #tpu.memory_space<hbm>>) target_semaphore(%arg22 : memref<!tpu.dma_semaphore, #tpu.memory_space<semaphore_mem>>)
      %dma_wait3A_399 = tpu.memref_slice %arg8[%multiple_of3A_354] : memref<5000xi32, #tpu.memory_space<vmem>> -> memref<128xi32, #tpu.memory_space<vmem>>
      %dma_wait3A_400 = arith.constant 0 : i32
      %dma_wait3A_401 = arith.constant 0 : i32
      %dma_wait3A_402 = tpu.memref_slice %arg3[%dma_wait3A_400, %dma_wait3A_401] : memref<10000x128xf32, #tpu.memory_space<hbm>> -> memref<10000x128xf32, #tpu.memory_space<hbm>>
      tpu.wait_indirect_dma semaphore(%arg19 : memref<!tpu.dma_semaphore, #tpu.memory_space<semaphore_mem>>) src(%dma_wait3A_402 : memref<10000x128xf32, #tpu.memory_space<hbm>>) dst(%arg10 : memref<128x128xf32, #tpu.memory_space<vmem>>)
      %add3A_403 = arith.constant 1 : i32
      %add3A_404 = arith.addi %mul3A_272, %add3A_403 : i32
      %mul3A_405 = arith.constant 128 : i32
      %mul3A_406 = arith.muli %add3A_404, %mul3A_405 : i32
      %add3A_407 = arith.addi %multiple_of3A, %mul3A_406 : i32
      %multiple_of3A_408 = tpu.assume_multiple %add3A_407, 8 : i32
      %dma_start3A_409 = arith.constant 0 : i32
      %dma_start3A_410 = tpu.memref_slice %arg6[%multiple_of3A_408, %dma_start3A_409] : memref<160000x128xf32, #tpu.memory_space<hbm>> -> memref<128x128xf32, #tpu.memory_space<hbm>>
      %dma_start3A_411 = arith.constant 0 : i32
      %dma_start3A_412 = tpu.memref_slice %arg6[%multiple_of3A_408, %dma_start3A_411] : memref<160000x128xf32, #tpu.memory_space<hbm>> -> memref<128x128xf32, #tpu.memory_space<hbm>>
      tpu.enqueue_dma source(%arg10 : memref<128x128xf32, #tpu.memory_space<vmem>>) target(%dma_start3A_412 : memref<128x128xf32, #tpu.memory_space<hbm>>) target_semaphore(%arg23 : memref<!tpu.dma_semaphore, #tpu.memory_space<semaphore_mem>>)
      %dma_wait3A_413 = tpu.memref_slice %arg8[%multiple_of3A_367] : memref<5000xi32, #tpu.memory_space<vmem>> -> memref<128xi32, #tpu.memory_space<vmem>>
      %dma_wait3A_414 = arith.constant 0 : i32
      %dma_wait3A_415 = arith.constant 0 : i32
      %dma_wait3A_416 = tpu.memref_slice %arg3[%dma_wait3A_414, %dma_wait3A_415] : memref<10000x128xf32, #tpu.memory_space<hbm>> -> memref<10000x128xf32, #tpu.memory_space<hbm>>
      tpu.wait_indirect_dma semaphore(%arg20 : memref<!tpu.dma_semaphore, #tpu.memory_space<semaphore_mem>>) src(%dma_wait3A_416 : memref<10000x128xf32, #tpu.memory_space<hbm>>) dst(%arg11 : memref<128x128xf32, #tpu.memory_space<vmem>>)
      %add3A_417 = arith.constant 2 : i32
      %add3A_418 = arith.addi %mul3A_272, %add3A_417 : i32
      %mul3A_419 = arith.constant 128 : i32
      %mul3A_420 = arith.muli %add3A_418, %mul3A_419 : i32
      %add3A_421 = arith.addi %multiple_of3A, %mul3A_420 : i32
      %multiple_of3A_422 = tpu.assume_multiple %add3A_421, 8 : i32
      %dma_start3A_423 = arith.constant 0 : i32
      %dma_start3A_424 = tpu.memref_slice %arg6[%multiple_of3A_422, %dma_start3A_423] : memref<160000x128xf32, #tpu.memory_space<hbm>> -> memref<128x128xf32, #tpu.memory_space<hbm>>
      %dma_start3A_425 = arith.constant 0 : i32
      %dma_start3A_426 = tpu.memref_slice %arg6[%multiple_of3A_422, %dma_start3A_425] : memref<160000x128xf32, #tpu.memory_space<hbm>> -> memref<128x128xf32, #tpu.memory_space<hbm>>
      tpu.enqueue_dma source(%arg11 : memref<128x128xf32, #tpu.memory_space<vmem>>) target(%dma_start3A_426 : memref<128x128xf32, #tpu.memory_space<hbm>>) target_semaphore(%arg24 : memref<!tpu.dma_semaphore, #tpu.memory_space<semaphore_mem>>)
      %dma_wait3A_427 = tpu.memref_slice %arg8[%multiple_of3A_380] : memref<5000xi32, #tpu.memory_space<vmem>> -> memref<128xi32, #tpu.memory_space<vmem>>
      %dma_wait3A_428 = arith.constant 0 : i32
      %dma_wait3A_429 = arith.constant 0 : i32
      %dma_wait3A_430 = tpu.memref_slice %arg3[%dma_wait3A_428, %dma_wait3A_429] : memref<10000x128xf32, #tpu.memory_space<hbm>> -> memref<10000x128xf32, #tpu.memory_space<hbm>>
      tpu.wait_indirect_dma semaphore(%arg21 : memref<!tpu.dma_semaphore, #tpu.memory_space<semaphore_mem>>) src(%dma_wait3A_430 : memref<10000x128xf32, #tpu.memory_space<hbm>>) dst(%arg12 : memref<128x128xf32, #tpu.memory_space<vmem>>)
      %add3A_431 = arith.constant 3 : i32
      %add3A_432 = arith.addi %mul3A_272, %add3A_431 : i32
      %mul3A_433 = arith.constant 128 : i32
      %mul3A_434 = arith.muli %add3A_432, %mul3A_433 : i32
      %add3A_435 = arith.addi %multiple_of3A, %mul3A_434 : i32
      %multiple_of3A_436 = tpu.assume_multiple %add3A_435, 8 : i32
      %dma_start3A_437 = arith.constant 0 : i32
      %dma_start3A_438 = tpu.memref_slice %arg6[%multiple_of3A_436, %dma_start3A_437] : memref<160000x128xf32, #tpu.memory_space<hbm>> -> memref<128x128xf32, #tpu.memory_space<hbm>>
      %dma_start3A_439 = arith.constant 0 : i32
      %dma_start3A_440 = tpu.memref_slice %arg6[%multiple_of3A_436, %dma_start3A_439] : memref<160000x128xf32, #tpu.memory_space<hbm>> -> memref<128x128xf32, #tpu.memory_space<hbm>>
      tpu.enqueue_dma source(%arg12 : memref<128x128xf32, #tpu.memory_space<vmem>>) target(%dma_start3A_440 : memref<128x128xf32, #tpu.memory_space<hbm>>) target_semaphore(%arg25 : memref<!tpu.dma_semaphore, #tpu.memory_space<semaphore_mem>>)
    }
    %scan3A_121 = arith.constant 8 : i32
    %dma_wait3A_122 = arith.constant 0 : i32
    %dma_wait3A_123 = arith.constant 0 : i32
    %dma_wait3A_124 = tpu.memref_slice %arg6[%dma_wait3A_122, %dma_wait3A_123] : memref<160000x128xf32, #tpu.memory_space<hbm>> -> memref<128x128xf32, #tpu.memory_space<hbm>>
    %dma_wait3A_125 = arith.constant 0 : i32
    %dma_wait3A_126 = arith.constant 0 : i32
    %dma_wait3A_127 = tpu.memref_slice %arg6[%dma_wait3A_125, %dma_wait3A_126] : memref<160000x128xf32, #tpu.memory_space<hbm>> -> memref<128x128xf32, #tpu.memory_space<hbm>>
    tpu.wait_dma2 semaphore(%arg22 : memref<!tpu.dma_semaphore, #tpu.memory_space<semaphore_mem>>) src(%dma_wait3A_127 : memref<128x128xf32, #tpu.memory_space<hbm>>) dst(%arg9 : memref<128x128xf32, #tpu.memory_space<vmem>>)
    %multiple_of3A_128 = arith.constant 4608 : i32
    %multiple_of3A_129 = tpu.assume_multiple %multiple_of3A_128, 8 : i32
    %dma_start3A_130 = tpu.memref_slice %arg7[%multiple_of3A_129] : memref<5000xi32, #tpu.memory_space<vmem>> -> memref<128xi32, #tpu.memory_space<vmem>>
    %dma_start3A_131 = arith.constant 0 : i32
    %dma_start3A_132 = arith.constant 0 : i32
    %dma_start3A_133 = tpu.memref_slice %arg2[%dma_start3A_131, %dma_start3A_132] : memref<10000x128xf32, #tpu.memory_space<hbm>> -> memref<10000x128xf32, #tpu.memory_space<hbm>>
    tpu.enqueue_indirect_dma source(%dma_start3A_133 : memref<10000x128xf32, #tpu.memory_space<hbm>>) target(%arg9 : memref<128x128xf32, #tpu.memory_space<vmem>>) offsets(%dma_start3A_130 : memref<128xi32, #tpu.memory_space<vmem>>) semaphore(%arg14 : memref<!tpu.dma_semaphore, #tpu.memory_space<semaphore_mem>>)
    %dma_wait3A_134 = arith.constant 0 : i32
    %dma_wait3A_135 = arith.constant 0 : i32
    %dma_wait3A_136 = tpu.memref_slice %arg6[%dma_wait3A_134, %dma_wait3A_135] : memref<160000x128xf32, #tpu.memory_space<hbm>> -> memref<128x128xf32, #tpu.memory_space<hbm>>
    %dma_wait3A_137 = arith.constant 0 : i32
    %dma_wait3A_138 = arith.constant 0 : i32
    %dma_wait3A_139 = tpu.memref_slice %arg6[%dma_wait3A_137, %dma_wait3A_138] : memref<160000x128xf32, #tpu.memory_space<hbm>> -> memref<128x128xf32, #tpu.memory_space<hbm>>
    tpu.wait_dma2 semaphore(%arg23 : memref<!tpu.dma_semaphore, #tpu.memory_space<semaphore_mem>>) src(%dma_wait3A_139 : memref<128x128xf32, #tpu.memory_space<hbm>>) dst(%arg10 : memref<128x128xf32, #tpu.memory_space<vmem>>)
    %multiple_of3A_140 = arith.constant 4736 : i32
    %multiple_of3A_141 = tpu.assume_multiple %multiple_of3A_140, 8 : i32
    %dma_start3A_142 = tpu.memref_slice %arg7[%multiple_of3A_141] : memref<5000xi32, #tpu.memory_space<vmem>> -> memref<128xi32, #tpu.memory_space<vmem>>
    %dma_start3A_143 = arith.constant 0 : i32
    %dma_start3A_144 = arith.constant 0 : i32
    %dma_start3A_145 = tpu.memref_slice %arg2[%dma_start3A_143, %dma_start3A_144] : memref<10000x128xf32, #tpu.memory_space<hbm>> -> memref<10000x128xf32, #tpu.memory_space<hbm>>
    tpu.enqueue_indirect_dma source(%dma_start3A_145 : memref<10000x128xf32, #tpu.memory_space<hbm>>) target(%arg10 : memref<128x128xf32, #tpu.memory_space<vmem>>) offsets(%dma_start3A_142 : memref<128xi32, #tpu.memory_space<vmem>>) semaphore(%arg15 : memref<!tpu.dma_semaphore, #tpu.memory_space<semaphore_mem>>)
    %dma_wait3A_146 = arith.constant 0 : i32
    %dma_wait3A_147 = arith.constant 0 : i32
    %dma_wait3A_148 = tpu.memref_slice %arg6[%dma_wait3A_146, %dma_wait3A_147] : memref<160000x128xf32, #tpu.memory_space<hbm>> -> memref<128x128xf32, #tpu.memory_space<hbm>>
    %dma_wait3A_149 = arith.constant 0 : i32
    %dma_wait3A_150 = arith.constant 0 : i32
    %dma_wait3A_151 = tpu.memref_slice %arg6[%dma_wait3A_149, %dma_wait3A_150] : memref<160000x128xf32, #tpu.memory_space<hbm>> -> memref<128x128xf32, #tpu.memory_space<hbm>>
    tpu.wait_dma2 semaphore(%arg24 : memref<!tpu.dma_semaphore, #tpu.memory_space<semaphore_mem>>) src(%dma_wait3A_151 : memref<128x128xf32, #tpu.memory_space<hbm>>) dst(%arg11 : memref<128x128xf32, #tpu.memory_space<vmem>>)
    %multiple_of3A_152 = arith.constant 4864 : i32
    %multiple_of3A_153 = tpu.assume_multiple %multiple_of3A_152, 8 : i32
    %dma_start3A_154 = tpu.memref_slice %arg7[%multiple_of3A_153] : memref<5000xi32, #tpu.memory_space<vmem>> -> memref<128xi32, #tpu.memory_space<vmem>>
    %dma_start3A_155 = arith.constant 0 : i32
    %dma_start3A_156 = arith.constant 0 : i32
    %dma_start3A_157 = tpu.memref_slice %arg2[%dma_start3A_155, %dma_start3A_156] : memref<10000x128xf32, #tpu.memory_space<hbm>> -> memref<10000x128xf32, #tpu.memory_space<hbm>>
    tpu.enqueue_indirect_dma source(%dma_start3A_157 : memref<10000x128xf32, #tpu.memory_space<hbm>>) target(%arg11 : memref<128x128xf32, #tpu.memory_space<vmem>>) offsets(%dma_start3A_154 : memref<128xi32, #tpu.memory_space<vmem>>) semaphore(%arg16 : memref<!tpu.dma_semaphore, #tpu.memory_space<semaphore_mem>>)
    %dma_wait3A_158 = arith.constant 0 : i32
    %dma_wait3A_159 = arith.constant 0 : i32
    %dma_wait3A_160 = tpu.memref_slice %arg6[%dma_wait3A_158, %dma_wait3A_159] : memref<160000x128xf32, #tpu.memory_space<hbm>> -> memref<128x128xf32, #tpu.memory_space<hbm>>
    %dma_wait3A_161 = arith.constant 0 : i32
    %dma_wait3A_162 = arith.constant 0 : i32
    %dma_wait3A_163 = tpu.memref_slice %arg6[%dma_wait3A_161, %dma_wait3A_162] : memref<160000x128xf32, #tpu.memory_space<hbm>> -> memref<128x128xf32, #tpu.memory_space<hbm>>
    tpu.wait_dma2 semaphore(%arg25 : memref<!tpu.dma_semaphore, #tpu.memory_space<semaphore_mem>>) src(%dma_wait3A_163 : memref<128x128xf32, #tpu.memory_space<hbm>>) dst(%arg12 : memref<128x128xf32, #tpu.memory_space<vmem>>)
    %multiple_of3A_164 = arith.constant 4992 : i32
    %multiple_of3A_165 = tpu.assume_multiple %multiple_of3A_164, 8 : i32
    %dma_start3A_166 = tpu.memref_slice %arg7[%multiple_of3A_165] : memref<5000xi32, #tpu.memory_space<vmem>> -> memref<8xi32, #tpu.memory_space<vmem>>
    %dma_start3A_167 = arith.constant 0 : i32
    %dma_start3A_168 = arith.constant 0 : i32
    %dma_start3A_169 = tpu.memref_slice %arg2[%dma_start3A_167, %dma_start3A_168] : memref<10000x128xf32, #tpu.memory_space<hbm>> -> memref<10000x128xf32, #tpu.memory_space<hbm>>
    tpu.enqueue_indirect_dma source(%dma_start3A_169 : memref<10000x128xf32, #tpu.memory_space<hbm>>) target(%arg13 : memref<8x128xf32, #tpu.memory_space<vmem>>) offsets(%dma_start3A_166 : memref<8xi32, #tpu.memory_space<vmem>>) semaphore(%arg17 : memref<!tpu.dma_semaphore, #tpu.memory_space<semaphore_mem>>)
    %dma_wait3A_170 = tpu.memref_slice %arg7[%multiple_of3A_129] : memref<5000xi32, #tpu.memory_space<vmem>> -> memref<128xi32, #tpu.memory_space<vmem>>
    %dma_wait3A_171 = arith.constant 0 : i32
    %dma_wait3A_172 = arith.constant 0 : i32
    %dma_wait3A_173 = tpu.memref_slice %arg2[%dma_wait3A_171, %dma_wait3A_172] : memref<10000x128xf32, #tpu.memory_space<hbm>> -> memref<10000x128xf32, #tpu.memory_space<hbm>>
    tpu.wait_indirect_dma semaphore(%arg14 : memref<!tpu.dma_semaphore, #tpu.memory_space<semaphore_mem>>) src(%dma_wait3A_173 : memref<10000x128xf32, #tpu.memory_space<hbm>>) dst(%arg9 : memref<128x128xf32, #tpu.memory_space<vmem>>)
    %multiple_of3A_174 = arith.constant 4608 : i32
    %multiple_of3A_175 = tpu.assume_multiple %multiple_of3A_174, 8 : i32
    %dma_start3A_176 = tpu.memref_slice %arg8[%multiple_of3A_175] : memref<5000xi32, #tpu.memory_space<vmem>> -> memref<128xi32, #tpu.memory_space<vmem>>
    %dma_start3A_177 = arith.constant 0 : i32
    %dma_start3A_178 = arith.constant 0 : i32
    %dma_start3A_179 = tpu.memref_slice %arg3[%dma_start3A_177, %dma_start3A_178] : memref<10000x128xf32, #tpu.memory_space<hbm>> -> memref<10000x128xf32, #tpu.memory_space<hbm>>
    tpu.enqueue_indirect_dma source(%dma_start3A_179 : memref<10000x128xf32, #tpu.memory_space<hbm>>) target(%arg9 : memref<128x128xf32, #tpu.memory_space<vmem>>) offsets(%dma_start3A_176 : memref<128xi32, #tpu.memory_space<vmem>>) semaphore(%arg18 : memref<!tpu.dma_semaphore, #tpu.memory_space<semaphore_mem>>) {add = true}
    %dma_wait3A_180 = tpu.memref_slice %arg7[%multiple_of3A_141] : memref<5000xi32, #tpu.memory_space<vmem>> -> memref<128xi32, #tpu.memory_space<vmem>>
    %dma_wait3A_181 = arith.constant 0 : i32
    %dma_wait3A_182 = arith.constant 0 : i32
    %dma_wait3A_183 = tpu.memref_slice %arg2[%dma_wait3A_181, %dma_wait3A_182] : memref<10000x128xf32, #tpu.memory_space<hbm>> -> memref<10000x128xf32, #tpu.memory_space<hbm>>
    tpu.wait_indirect_dma semaphore(%arg15 : memref<!tpu.dma_semaphore, #tpu.memory_space<semaphore_mem>>) src(%dma_wait3A_183 : memref<10000x128xf32, #tpu.memory_space<hbm>>) dst(%arg10 : memref<128x128xf32, #tpu.memory_space<vmem>>)
    %multiple_of3A_184 = arith.constant 4736 : i32
    %multiple_of3A_185 = tpu.assume_multiple %multiple_of3A_184, 8 : i32
    %dma_start3A_186 = tpu.memref_slice %arg8[%multiple_of3A_185] : memref<5000xi32, #tpu.memory_space<vmem>> -> memref<128xi32, #tpu.memory_space<vmem>>
    %dma_start3A_187 = arith.constant 0 : i32
    %dma_start3A_188 = arith.constant 0 : i32
    %dma_start3A_189 = tpu.memref_slice %arg3[%dma_start3A_187, %dma_start3A_188] : memref<10000x128xf32, #tpu.memory_space<hbm>> -> memref<10000x128xf32, #tpu.memory_space<hbm>>
    tpu.enqueue_indirect_dma source(%dma_start3A_189 : memref<10000x128xf32, #tpu.memory_space<hbm>>) target(%arg10 : memref<128x128xf32, #tpu.memory_space<vmem>>) offsets(%dma_start3A_186 : memref<128xi32, #tpu.memory_space<vmem>>) semaphore(%arg19 : memref<!tpu.dma_semaphore, #tpu.memory_space<semaphore_mem>>) {add = true}
    %dma_wait3A_190 = tpu.memref_slice %arg7[%multiple_of3A_153] : memref<5000xi32, #tpu.memory_space<vmem>> -> memref<128xi32, #tpu.memory_space<vmem>>
    %dma_wait3A_191 = arith.constant 0 : i32
    %dma_wait3A_192 = arith.constant 0 : i32
    %dma_wait3A_193 = tpu.memref_slice %arg2[%dma_wait3A_191, %dma_wait3A_192] : memref<10000x128xf32, #tpu.memory_space<hbm>> -> memref<10000x128xf32, #tpu.memory_space<hbm>>
    tpu.wait_indirect_dma semaphore(%arg16 : memref<!tpu.dma_semaphore, #tpu.memory_space<semaphore_mem>>) src(%dma_wait3A_193 : memref<10000x128xf32, #tpu.memory_space<hbm>>) dst(%arg11 : memref<128x128xf32, #tpu.memory_space<vmem>>)
    %multiple_of3A_194 = arith.constant 4864 : i32
    %multiple_of3A_195 = tpu.assume_multiple %multiple_of3A_194, 8 : i32
    %dma_start3A_196 = tpu.memref_slice %arg8[%multiple_of3A_195] : memref<5000xi32, #tpu.memory_space<vmem>> -> memref<128xi32, #tpu.memory_space<vmem>>
    %dma_start3A_197 = arith.constant 0 : i32
    %dma_start3A_198 = arith.constant 0 : i32
    %dma_start3A_199 = tpu.memref_slice %arg3[%dma_start3A_197, %dma_start3A_198] : memref<10000x128xf32, #tpu.memory_space<hbm>> -> memref<10000x128xf32, #tpu.memory_space<hbm>>
    tpu.enqueue_indirect_dma source(%dma_start3A_199 : memref<10000x128xf32, #tpu.memory_space<hbm>>) target(%arg11 : memref<128x128xf32, #tpu.memory_space<vmem>>) offsets(%dma_start3A_196 : memref<128xi32, #tpu.memory_space<vmem>>) semaphore(%arg20 : memref<!tpu.dma_semaphore, #tpu.memory_space<semaphore_mem>>) {add = true}
    %dma_wait3A_200 = tpu.memref_slice %arg7[%multiple_of3A_165] : memref<5000xi32, #tpu.memory_space<vmem>> -> memref<8xi32, #tpu.memory_space<vmem>>
    %dma_wait3A_201 = arith.constant 0 : i32
    %dma_wait3A_202 = arith.constant 0 : i32
    %dma_wait3A_203 = tpu.memref_slice %arg2[%dma_wait3A_201, %dma_wait3A_202] : memref<10000x128xf32, #tpu.memory_space<hbm>> -> memref<10000x128xf32, #tpu.memory_space<hbm>>
    tpu.wait_indirect_dma semaphore(%arg17 : memref<!tpu.dma_semaphore, #tpu.memory_space<semaphore_mem>>) src(%dma_wait3A_203 : memref<10000x128xf32, #tpu.memory_space<hbm>>) dst(%arg13 : memref<8x128xf32, #tpu.memory_space<vmem>>)
    %multiple_of3A_204 = arith.constant 4992 : i32
    %multiple_of3A_205 = tpu.assume_multiple %multiple_of3A_204, 8 : i32
    %dma_start3A_206 = tpu.memref_slice %arg8[%multiple_of3A_205] : memref<5000xi32, #tpu.memory_space<vmem>> -> memref<8xi32, #tpu.memory_space<vmem>>
    %dma_start3A_207 = arith.constant 0 : i32
    %dma_start3A_208 = arith.constant 0 : i32
    %dma_start3A_209 = tpu.memref_slice %arg3[%dma_start3A_207, %dma_start3A_208] : memref<10000x128xf32, #tpu.memory_space<hbm>> -> memref<10000x128xf32, #tpu.memory_space<hbm>>
    tpu.enqueue_indirect_dma source(%dma_start3A_209 : memref<10000x128xf32, #tpu.memory_space<hbm>>) target(%arg13 : memref<8x128xf32, #tpu.memory_space<vmem>>) offsets(%dma_start3A_206 : memref<8xi32, #tpu.memory_space<vmem>>) semaphore(%arg21 : memref<!tpu.dma_semaphore, #tpu.memory_space<semaphore_mem>>) {add = true}
    %dma_wait3A_210 = tpu.memref_slice %arg8[%multiple_of3A_175] : memref<5000xi32, #tpu.memory_space<vmem>> -> memref<128xi32, #tpu.memory_space<vmem>>
    %dma_wait3A_211 = arith.constant 0 : i32
    %dma_wait3A_212 = arith.constant 0 : i32
    %dma_wait3A_213 = tpu.memref_slice %arg3[%dma_wait3A_211, %dma_wait3A_212] : memref<10000x128xf32, #tpu.memory_space<hbm>> -> memref<10000x128xf32, #tpu.memory_space<hbm>>
    tpu.wait_indirect_dma semaphore(%arg18 : memref<!tpu.dma_semaphore, #tpu.memory_space<semaphore_mem>>) src(%dma_wait3A_213 : memref<10000x128xf32, #tpu.memory_space<hbm>>) dst(%arg9 : memref<128x128xf32, #tpu.memory_space<vmem>>)
    %add3A_214 = arith.constant 4608 : i32
    %add3A_215 = arith.addi %multiple_of3A, %add3A_214 : i32
    %multiple_of3A_216 = tpu.assume_multiple %add3A_215, 8 : i32
    %dma_start3A_217 = arith.constant 0 : i32
    %dma_start3A_218 = tpu.memref_slice %arg6[%multiple_of3A_216, %dma_start3A_217] : memref<160000x128xf32, #tpu.memory_space<hbm>> -> memref<128x128xf32, #tpu.memory_space<hbm>>
    %dma_start3A_219 = arith.constant 0 : i32
    %dma_start3A_220 = tpu.memref_slice %arg6[%multiple_of3A_216, %dma_start3A_219] : memref<160000x128xf32, #tpu.memory_space<hbm>> -> memref<128x128xf32, #tpu.memory_space<hbm>>
    tpu.enqueue_dma source(%arg9 : memref<128x128xf32, #tpu.memory_space<vmem>>) target(%dma_start3A_220 : memref<128x128xf32, #tpu.memory_space<hbm>>) target_semaphore(%arg22 : memref<!tpu.dma_semaphore, #tpu.memory_space<semaphore_mem>>)
    %dma_wait3A_221 = tpu.memref_slice %arg8[%multiple_of3A_185] : memref<5000xi32, #tpu.memory_space<vmem>> -> memref<128xi32, #tpu.memory_space<vmem>>
    %dma_wait3A_222 = arith.constant 0 : i32
    %dma_wait3A_223 = arith.constant 0 : i32
    %dma_wait3A_224 = tpu.memref_slice %arg3[%dma_wait3A_222, %dma_wait3A_223] : memref<10000x128xf32, #tpu.memory_space<hbm>> -> memref<10000x128xf32, #tpu.memory_space<hbm>>
    tpu.wait_indirect_dma semaphore(%arg19 : memref<!tpu.dma_semaphore, #tpu.memory_space<semaphore_mem>>) src(%dma_wait3A_224 : memref<10000x128xf32, #tpu.memory_space<hbm>>) dst(%arg10 : memref<128x128xf32, #tpu.memory_space<vmem>>)
    %add3A_225 = arith.constant 4736 : i32
    %add3A_226 = arith.addi %multiple_of3A, %add3A_225 : i32
    %multiple_of3A_227 = tpu.assume_multiple %add3A_226, 8 : i32
    %dma_start3A_228 = arith.constant 0 : i32
    %dma_start3A_229 = tpu.memref_slice %arg6[%multiple_of3A_227, %dma_start3A_228] : memref<160000x128xf32, #tpu.memory_space<hbm>> -> memref<128x128xf32, #tpu.memory_space<hbm>>
    %dma_start3A_230 = arith.constant 0 : i32
    %dma_start3A_231 = tpu.memref_slice %arg6[%multiple_of3A_227, %dma_start3A_230] : memref<160000x128xf32, #tpu.memory_space<hbm>> -> memref<128x128xf32, #tpu.memory_space<hbm>>
    tpu.enqueue_dma source(%arg10 : memref<128x128xf32, #tpu.memory_space<vmem>>) target(%dma_start3A_231 : memref<128x128xf32, #tpu.memory_space<hbm>>) target_semaphore(%arg23 : memref<!tpu.dma_semaphore, #tpu.memory_space<semaphore_mem>>)
    %dma_wait3A_232 = tpu.memref_slice %arg8[%multiple_of3A_195] : memref<5000xi32, #tpu.memory_space<vmem>> -> memref<128xi32, #tpu.memory_space<vmem>>
    %dma_wait3A_233 = arith.constant 0 : i32
    %dma_wait3A_234 = arith.constant 0 : i32
    %dma_wait3A_235 = tpu.memref_slice %arg3[%dma_wait3A_233, %dma_wait3A_234] : memref<10000x128xf32, #tpu.memory_space<hbm>> -> memref<10000x128xf32, #tpu.memory_space<hbm>>
    tpu.wait_indirect_dma semaphore(%arg20 : memref<!tpu.dma_semaphore, #tpu.memory_space<semaphore_mem>>) src(%dma_wait3A_235 : memref<10000x128xf32, #tpu.memory_space<hbm>>) dst(%arg11 : memref<128x128xf32, #tpu.memory_space<vmem>>)
    %add3A_236 = arith.constant 4864 : i32
    %add3A_237 = arith.addi %multiple_of3A, %add3A_236 : i32
    %multiple_of3A_238 = tpu.assume_multiple %add3A_237, 8 : i32
    %dma_start3A_239 = arith.constant 0 : i32
    %dma_start3A_240 = tpu.memref_slice %arg6[%multiple_of3A_238, %dma_start3A_239] : memref<160000x128xf32, #tpu.memory_space<hbm>> -> memref<128x128xf32, #tpu.memory_space<hbm>>
    %dma_start3A_241 = arith.constant 0 : i32
    %dma_start3A_242 = tpu.memref_slice %arg6[%multiple_of3A_238, %dma_start3A_241] : memref<160000x128xf32, #tpu.memory_space<hbm>> -> memref<128x128xf32, #tpu.memory_space<hbm>>
    tpu.enqueue_dma source(%arg11 : memref<128x128xf32, #tpu.memory_space<vmem>>) target(%dma_start3A_242 : memref<128x128xf32, #tpu.memory_space<hbm>>) target_semaphore(%arg24 : memref<!tpu.dma_semaphore, #tpu.memory_space<semaphore_mem>>)
    %dma_wait3A_243 = tpu.memref_slice %arg8[%multiple_of3A_205] : memref<5000xi32, #tpu.memory_space<vmem>> -> memref<8xi32, #tpu.memory_space<vmem>>
    %dma_wait3A_244 = arith.constant 0 : i32
    %dma_wait3A_245 = arith.constant 0 : i32
    %dma_wait3A_246 = tpu.memref_slice %arg3[%dma_wait3A_244, %dma_wait3A_245] : memref<10000x128xf32, #tpu.memory_space<hbm>> -> memref<10000x128xf32, #tpu.memory_space<hbm>>
    tpu.wait_indirect_dma semaphore(%arg21 : memref<!tpu.dma_semaphore, #tpu.memory_space<semaphore_mem>>) src(%dma_wait3A_246 : memref<10000x128xf32, #tpu.memory_space<hbm>>) dst(%arg13 : memref<8x128xf32, #tpu.memory_space<vmem>>)
    %add3A_247 = arith.constant 4992 : i32
    %add3A_248 = arith.addi %multiple_of3A, %add3A_247 : i32
    %multiple_of3A_249 = tpu.assume_multiple %add3A_248, 8 : i32
    %dma_start3A_250 = arith.constant 0 : i32
    %dma_start3A_251 = tpu.memref_slice %arg6[%multiple_of3A_249, %dma_start3A_250] : memref<160000x128xf32, #tpu.memory_space<hbm>> -> memref<8x128xf32, #tpu.memory_space<hbm>>
    %dma_start3A_252 = arith.constant 0 : i32
    %dma_start3A_253 = tpu.memref_slice %arg6[%multiple_of3A_249, %dma_start3A_252] : memref<160000x128xf32, #tpu.memory_space<hbm>> -> memref<8x128xf32, #tpu.memory_space<hbm>>
    tpu.enqueue_dma source(%arg13 : memref<8x128xf32, #tpu.memory_space<vmem>>) target(%dma_start3A_253 : memref<8x128xf32, #tpu.memory_space<hbm>>) target_semaphore(%arg25 : memref<!tpu.dma_semaphore, #tpu.memory_space<semaphore_mem>>)
    %dma_wait3A_254 = arith.constant 0 : i32
    %dma_wait3A_255 = tpu.memref_slice %arg6[%multiple_of3A_216, %dma_wait3A_254] : memref<160000x128xf32, #tpu.memory_space<hbm>> -> memref<128x128xf32, #tpu.memory_space<hbm>>
    %dma_wait3A_256 = arith.constant 0 : i32
    %dma_wait3A_257 = tpu.memref_slice %arg6[%multiple_of3A_216, %dma_wait3A_256] : memref<160000x128xf32, #tpu.memory_space<hbm>> -> memref<128x128xf32, #tpu.memory_space<hbm>>
    tpu.wait_dma2 semaphore(%arg22 : memref<!tpu.dma_semaphore, #tpu.memory_space<semaphore_mem>>) src(%arg9 : memref<128x128xf32, #tpu.memory_space<vmem>>) dst(%dma_wait3A_257 : memref<128x128xf32, #tpu.memory_space<hbm>>)
    %dma_wait3A_258 = arith.constant 0 : i32
    %dma_wait3A_259 = tpu.memref_slice %arg6[%multiple_of3A_227, %dma_wait3A_258] : memref<160000x128xf32, #tpu.memory_space<hbm>> -> memref<128x128xf32, #tpu.memory_space<hbm>>
    %dma_wait3A_260 = arith.constant 0 : i32
    %dma_wait3A_261 = tpu.memref_slice %arg6[%multiple_of3A_227, %dma_wait3A_260] : memref<160000x128xf32, #tpu.memory_space<hbm>> -> memref<128x128xf32, #tpu.memory_space<hbm>>
    tpu.wait_dma2 semaphore(%arg23 : memref<!tpu.dma_semaphore, #tpu.memory_space<semaphore_mem>>) src(%arg10 : memref<128x128xf32, #tpu.memory_space<vmem>>) dst(%dma_wait3A_261 : memref<128x128xf32, #tpu.memory_space<hbm>>)
    %dma_wait3A_262 = arith.constant 0 : i32
    %dma_wait3A_263 = tpu.memref_slice %arg6[%multiple_of3A_238, %dma_wait3A_262] : memref<160000x128xf32, #tpu.memory_space<hbm>> -> memref<128x128xf32, #tpu.memory_space<hbm>>
    %dma_wait3A_264 = arith.constant 0 : i32
    %dma_wait3A_265 = tpu.memref_slice %arg6[%multiple_of3A_238, %dma_wait3A_264] : memref<160000x128xf32, #tpu.memory_space<hbm>> -> memref<128x128xf32, #tpu.memory_space<hbm>>
    tpu.wait_dma2 semaphore(%arg24 : memref<!tpu.dma_semaphore, #tpu.memory_space<semaphore_mem>>) src(%arg11 : memref<128x128xf32, #tpu.memory_space<vmem>>) dst(%dma_wait3A_265 : memref<128x128xf32, #tpu.memory_space<hbm>>)
    %dma_wait3A_266 = arith.constant 0 : i32
    %dma_wait3A_267 = tpu.memref_slice %arg6[%multiple_of3A_249, %dma_wait3A_266] : memref<160000x128xf32, #tpu.memory_space<hbm>> -> memref<8x128xf32, #tpu.memory_space<hbm>>
    %dma_wait3A_268 = arith.constant 0 : i32
    %dma_wait3A_269 = tpu.memref_slice %arg6[%multiple_of3A_249, %dma_wait3A_268] : memref<160000x128xf32, #tpu.memory_space<hbm>> -> memref<8x128xf32, #tpu.memory_space<hbm>>
    tpu.wait_dma2 semaphore(%arg25 : memref<!tpu.dma_semaphore, #tpu.memory_space<semaphore_mem>>) src(%arg13 : memref<8x128xf32, #tpu.memory_space<vmem>>) dst(%dma_wait3A_269 : memref<8x128xf32, #tpu.memory_space<hbm>>)
    return
  }
}

module attributes {stable_mosaic.version = 14 : i64} {
  func.func @_pre_body(%arg0: i32, %arg1: memref<1000x256xf32, #tpu.memory_space<vmem>>, %arg2: memref<256x384xf32, #tpu.memory_space<vmem>>, %arg3: memref<1000x128xf32, #tpu.memory_space<vmem>>, %arg4: memref<1000x128xf32, #tpu.memory_space<vmem>>, %arg5: memref<1000x128xf32, #tpu.memory_space<vmem>>) attributes {dimension_semantics = [#tpu.dimension_semantics<arbitrary>], iteration_bounds = array<i64: 10>, scalar_prefetch = 0 : i64, scratch_operands = 0 : i64, tpu.core_type = #tpu.core_type<tc>, window_params = [{transform_indices = @transform_0, window_bounds = array<i64: 1000, 256>}, {pipeline_mode = #tpu.pipeline_mode<synchronous>, transform_indices = @transform_1, window_bounds = array<i64: 256, 384>}, {transform_indices = @transform_2, window_bounds = array<i64: 1000, 128>}, {transform_indices = @transform_3, window_bounds = array<i64: 1000, 128>}, {transform_indices = @transform_4, window_bounds = array<i64: 1000, 128>}]} {
    %get3A = arith.constant 0 : index
    %get3A_0 = arith.constant 0 : index
    %get3A_1 = vector.load %arg1[%get3A, %get3A_0] : memref<1000x256xf32, #tpu.memory_space<vmem>>, vector<1000x256xf32>
    %get3A_2 = arith.constant 0 : index
    %get3A_3 = arith.constant 0 : index
    %get3A_4 = vector.load %arg2[%get3A_2, %get3A_3] : memref<256x384xf32, #tpu.memory_space<vmem>>, vector<256x384xf32>
    %dot_general3A = arith.constant dense<0.000000e+00> : vector<1000x384xf32>
    %dot_general3A_5 = tpu.matmul %get3A_1, %get3A_4, %dot_general3A {dimension_numbers = #tpu.dot_dimension_numbers<[1], [0], [0], [1], [0, 0, 1, 1], [], []>, transpose_lhs_hint = false} : vector<1000x256xf32>, vector<256x384xf32>, vector<1000x384xf32> -> vector<1000x384xf32>
    %slice3A = vector.extract_strided_slice %dot_general3A_5 {offsets = [0, 0], sizes = [1000, 128], strides = [1, 1]} : vector<1000x384xf32> to vector<1000x128xf32>
    %swap3A = arith.constant 0 : index
    %swap3A_6 = arith.constant 0 : index
    %swap3A_7 = vector.load %arg3[%swap3A, %swap3A_6] : memref<1000x128xf32, #tpu.memory_space<vmem>>, vector<1000x128xf32>
    tpu.vector_store %arg3[%swap3A, %swap3A_6], %slice3A {strides = array<i32>} : memref<1000x128xf32, #tpu.memory_space<vmem>>, vector<1000x128xf32>,
    %slice3A_8 = vector.extract_strided_slice %dot_general3A_5 {offsets = [0, 128], sizes = [1000, 128], strides = [1, 1]} : vector<1000x384xf32> to vector<1000x128xf32>
    %swap3A_9 = arith.constant 0 : index
    %swap3A_10 = arith.constant 0 : index
    %swap3A_11 = vector.load %arg4[%swap3A_9, %swap3A_10] : memref<1000x128xf32, #tpu.memory_space<vmem>>, vector<1000x128xf32>
    tpu.vector_store %arg4[%swap3A_9, %swap3A_10], %slice3A_8 {strides = array<i32>} : memref<1000x128xf32, #tpu.memory_space<vmem>>, vector<1000x128xf32>,
    %slice3A_12 = vector.extract_strided_slice %dot_general3A_5 {offsets = [0, 256], sizes = [1000, 128], strides = [1, 1]} : vector<1000x384xf32> to vector<1000x128xf32>
    %swap3A_13 = arith.constant 0 : index
    %swap3A_14 = arith.constant 0 : index
    %swap3A_15 = vector.load %arg5[%swap3A_13, %swap3A_14] : memref<1000x128xf32, #tpu.memory_space<vmem>>, vector<1000x128xf32>
    tpu.vector_store %arg5[%swap3A_13, %swap3A_14], %slice3A_12 {strides = array<i32>} : memref<1000x128xf32, #tpu.memory_space<vmem>>, vector<1000x128xf32>,
    return
  }
  func.func @transform_0(%arg0: i32) -> (i32, i32) {
    %c0_i32 = arith.constant 0 : i32
    %c0_i32_0 = arith.constant 0 : i32
    return %arg0, %c0_i32 : i32, i32
  }
  func.func @transform_1(%arg0: i32) -> (i32, i32) {
    %c0_i32 = arith.constant 0 : i32
    %c0_i32_0 = arith.constant 0 : i32
    %c0_i32_1 = arith.constant 0 : i32
    return %c0_i32, %c0_i32_0 : i32, i32
  }
  func.func @transform_2(%arg0: i32) -> (i32, i32) {
    %c0_i32 = arith.constant 0 : i32
    %c0_i32_0 = arith.constant 0 : i32
    return %arg0, %c0_i32 : i32, i32
  }
  func.func @transform_3(%arg0: i32) -> (i32, i32) {
    %c0_i32 = arith.constant 0 : i32
    %c0_i32_0 = arith.constant 0 : i32
    return %arg0, %c0_i32 : i32, i32
  }
  func.func @transform_4(%arg0: i32) -> (i32, i32) {
    %c0_i32 = arith.constant 0 : i32
    %c0_i32_0 = arith.constant 0 : i32
    return %arg0, %c0_i32 : i32, i32
  }
}

module attributes {stable_mosaic.version = 14 : i64} {
  func.func @_edge_body(%arg0: i32, %arg1: memref<4000x128xf32, #tpu.memory_space<vmem>>, %arg2: memref<4000x128xbf16, #tpu.memory_space<vmem>>, %arg3: memref<128x128xbf16, #tpu.memory_space<vmem>>, %arg4: memref<1x128xf32, #tpu.memory_space<vmem>>, %arg5: memref<128x128xbf16, #tpu.memory_space<vmem>>, %arg6: memref<1x128xf32, #tpu.memory_space<vmem>>, %arg7: memref<128x128xbf16, #tpu.memory_space<vmem>>, %arg8: memref<1x128xf32, #tpu.memory_space<vmem>>, %arg9: memref<1x128xf32, #tpu.memory_space<vmem>>, %arg10: memref<1x128xf32, #tpu.memory_space<vmem>>, %arg11: memref<4000x128xf32, #tpu.memory_space<vmem>>) attributes {dimension_semantics = [#tpu.dimension_semantics<arbitrary>], iteration_bounds = array<i64: 40>, scalar_prefetch = 0 : i64, scratch_operands = 0 : i64, tpu.core_type = #tpu.core_type<tc>, window_params = [{transform_indices = @transform_0, window_bounds = array<i64: 4000, 128>}, {transform_indices = @transform_1, window_bounds = array<i64: 4000, 128>}, {pipeline_mode = #tpu.pipeline_mode<synchronous>, transform_indices = @transform_2, window_bounds = array<i64: 128, 128>}, {pipeline_mode = #tpu.pipeline_mode<synchronous>, transform_indices = @transform_3, window_bounds = array<i64: 1, 128>}, {pipeline_mode = #tpu.pipeline_mode<synchronous>, transform_indices = @transform_4, window_bounds = array<i64: 128, 128>}, {pipeline_mode = #tpu.pipeline_mode<synchronous>, transform_indices = @transform_5, window_bounds = array<i64: 1, 128>}, {pipeline_mode = #tpu.pipeline_mode<synchronous>, transform_indices = @transform_6, window_bounds = array<i64: 128, 128>}, {pipeline_mode = #tpu.pipeline_mode<synchronous>, transform_indices = @transform_7, window_bounds = array<i64: 1, 128>}, {pipeline_mode = #tpu.pipeline_mode<synchronous>, transform_indices = @transform_8, window_bounds = array<i64: 1, 128>}, {pipeline_mode = #tpu.pipeline_mode<synchronous>, transform_indices = @transform_9, window_bounds = array<i64: 1, 128>}, {transform_indices = @transform_10, window_bounds = array<i64: 4000, 128>}]} {
    %get3A = arith.constant 0 : index
    %get3A_0 = arith.constant 0 : index
    %get3A_1 = vector.load %arg1[%get3A, %get3A_0] : memref<4000x128xf32, #tpu.memory_space<vmem>>, vector<4000x128xf32>
    %get3A_2 = arith.constant 0 : index
    %get3A_3 = arith.constant 0 : index
    %get3A_4 = vector.load %arg4[%get3A_2, %get3A_3] : memref<1x128xf32, #tpu.memory_space<vmem>>, vector<1x128xf32>
    %add3A = vector.broadcast %get3A_4 : vector<1x128xf32> to vector<4000x128xf32>
    %add3A_5 = arith.addf %get3A_1, %add3A : vector<4000x128xf32>
    %get3A_6 = arith.constant 0 : index
    %get3A_7 = arith.constant 0 : index
    %get3A_8 = vector.load %arg2[%get3A_6, %get3A_7] : memref<4000x128xbf16, #tpu.memory_space<vmem>>, vector<4000x128xbf16>
    %get3A_9 = arith.constant 0 : index
    %get3A_10 = arith.constant 0 : index
    %get3A_11 = vector.load %arg3[%get3A_9, %get3A_10] : memref<128x128xbf16, #tpu.memory_space<vmem>>, vector<128x128xbf16>
    %dot_general3A = arith.constant dense<0.000000e+00> : vector<4000x128xf32>
    %dot_general3A_12 = tpu.matmul %get3A_8, %get3A_11, %dot_general3A {dimension_numbers = #tpu.dot_dimension_numbers<[1], [0], [0], [1], [0, 0, 1, 1], [], []>, transpose_lhs_hint = false} : vector<4000x128xbf16>, vector<128x128xbf16>, vector<4000x128xf32> -> vector<4000x128xf32>
    %add3A_13 = arith.addf %add3A_5, %dot_general3A_12 : vector<4000x128xf32>
    %max3A = arith.constant 0.000000e+00 : f32
    %max3A_14 = vector.broadcast %max3A : f32 to vector<4000x128xf32>
    %max3A_15 = arith.maximumf %add3A_13, %max3A_14 : vector<4000x128xf32>
    %convert_element_type3A = arith.truncf %max3A_15 : vector<4000x128xf32> to vector<4000x128xbf16>
    %get3A_16 = arith.constant 0 : index
    %get3A_17 = arith.constant 0 : index
    %get3A_18 = vector.load %arg5[%get3A_16, %get3A_17] : memref<128x128xbf16, #tpu.memory_space<vmem>>, vector<128x128xbf16>
    %dot_general3A_19 = arith.constant dense<0.000000e+00> : vector<4000x128xf32>
    %dot_general3A_20 = tpu.matmul %convert_element_type3A, %get3A_18, %dot_general3A_19 {dimension_numbers = #tpu.dot_dimension_numbers<[1], [0], [0], [1], [0, 0, 1, 1], [], []>, transpose_lhs_hint = false} : vector<4000x128xbf16>, vector<128x128xbf16>, vector<4000x128xf32> -> vector<4000x128xf32>
    %get3A_21 = arith.constant 0 : index
    %get3A_22 = arith.constant 0 : index
    %get3A_23 = vector.load %arg6[%get3A_21, %get3A_22] : memref<1x128xf32, #tpu.memory_space<vmem>>, vector<1x128xf32>
    %add3A_24 = vector.broadcast %get3A_23 : vector<1x128xf32> to vector<4000x128xf32>
    %add3A_25 = arith.addf %dot_general3A_20, %add3A_24 : vector<4000x128xf32>
    %max3A_26 = arith.constant 0.000000e+00 : f32
    %max3A_27 = vector.broadcast %max3A_26 : f32 to vector<4000x128xf32>
    %max3A_28 = arith.maximumf %add3A_25, %max3A_27 : vector<4000x128xf32>
    %convert_element_type3A_29 = arith.truncf %max3A_28 : vector<4000x128xf32> to vector<4000x128xbf16>
    %get3A_30 = arith.constant 0 : index
    %get3A_31 = arith.constant 0 : index
    %get3A_32 = vector.load %arg7[%get3A_30, %get3A_31] : memref<128x128xbf16, #tpu.memory_space<vmem>>, vector<128x128xbf16>
    %dot_general3A_33 = arith.constant dense<0.000000e+00> : vector<4000x128xf32>
    %dot_general3A_34 = tpu.matmul %convert_element_type3A_29, %get3A_32, %dot_general3A_33 {dimension_numbers = #tpu.dot_dimension_numbers<[1], [0], [0], [1], [0, 0, 1, 1], [], []>, transpose_lhs_hint = false} : vector<4000x128xbf16>, vector<128x128xbf16>, vector<4000x128xf32> -> vector<4000x128xf32>
    %get3A_35 = arith.constant 0 : index
    %get3A_36 = arith.constant 0 : index
    %get3A_37 = vector.load %arg8[%get3A_35, %get3A_36] : memref<1x128xf32, #tpu.memory_space<vmem>>, vector<1x128xf32>
    %add3A_38 = vector.broadcast %get3A_37 : vector<1x128xf32> to vector<4000x128xf32>
    %add3A_39 = arith.addf %dot_general3A_34, %add3A_38 : vector<4000x128xf32>
    %reduce_sum3A = arith.constant dense<0.000000e+00> : vector<4000xf32>
    %reduce_sum3A_40 = vector.multi_reduction <add>, %add3A_39, %reduce_sum3A [1] : vector<4000x128xf32> to vector<4000xf32>
    %broadcast_in_dim3A = vector.shape_cast %reduce_sum3A_40 : vector<4000xf32> to vector<4000x1xf32>
    %div3A = arith.constant 1.280000e+02 : f32
    %div3A_41 = vector.broadcast %div3A : f32 to vector<4000x1xf32>
    %div3A_42 = arith.divf %broadcast_in_dim3A, %div3A_41 : vector<4000x1xf32>
    %sub3A = vector.broadcast %div3A_42 : vector<4000x1xf32> to vector<4000x128xf32>
    %sub3A_43 = arith.subf %add3A_39, %sub3A : vector<4000x128xf32>
    %mul3A = arith.mulf %sub3A_43, %sub3A_43 : vector<4000x128xf32>
    %reduce_sum3A_44 = arith.constant dense<0.000000e+00> : vector<4000xf32>
    %reduce_sum3A_45 = vector.multi_reduction <add>, %mul3A, %reduce_sum3A_44 [1] : vector<4000x128xf32> to vector<4000xf32>
    %broadcast_in_dim3A_46 = vector.shape_cast %reduce_sum3A_45 : vector<4000xf32> to vector<4000x1xf32>
    %div3A_47 = arith.constant 1.280000e+02 : f32
    %div3A_48 = vector.broadcast %div3A_47 : f32 to vector<4000x1xf32>
    %div3A_49 = arith.divf %broadcast_in_dim3A_46, %div3A_48 : vector<4000x1xf32>
    %add3A_50 = arith.constant 9.99999974E-6 : f32
    %add3A_51 = vector.broadcast %add3A_50 : f32 to vector<4000x1xf32>
    %add3A_52 = arith.addf %div3A_49, %add3A_51 : vector<4000x1xf32>
    %rsqrt3A = math.rsqrt %add3A_52 : vector<4000x1xf32>
    %mul3A_53 = vector.broadcast %rsqrt3A : vector<4000x1xf32> to vector<4000x128xf32>
    %mul3A_54 = arith.mulf %sub3A_43, %mul3A_53 : vector<4000x128xf32>
    %get3A_55 = arith.constant 0 : index
    %get3A_56 = arith.constant 0 : index
    %get3A_57 = vector.load %arg9[%get3A_55, %get3A_56] : memref<1x128xf32, #tpu.memory_space<vmem>>, vector<1x128xf32>
    %mul3A_58 = vector.broadcast %get3A_57 : vector<1x128xf32> to vector<4000x128xf32>
    %mul3A_59 = arith.mulf %mul3A_54, %mul3A_58 : vector<4000x128xf32>
    %get3A_60 = arith.constant 0 : index
    %get3A_61 = arith.constant 0 : index
    %get3A_62 = vector.load %arg10[%get3A_60, %get3A_61] : memref<1x128xf32, #tpu.memory_space<vmem>>, vector<1x128xf32>
    %add3A_63 = vector.broadcast %get3A_62 : vector<1x128xf32> to vector<4000x128xf32>
    %add3A_64 = arith.addf %mul3A_59, %add3A_63 : vector<4000x128xf32>
    %swap3A = arith.constant 0 : index
    %swap3A_65 = arith.constant 0 : index
    %swap3A_66 = vector.load %arg11[%swap3A, %swap3A_65] : memref<4000x128xf32, #tpu.memory_space<vmem>>, vector<4000x128xf32>
    tpu.vector_store %arg11[%swap3A, %swap3A_65], %add3A_64 {strides = array<i32>} : memref<4000x128xf32, #tpu.memory_space<vmem>>, vector<4000x128xf32>,
    return
  }
  func.func @transform_0(%arg0: i32) -> (i32, i32) {
    %c0_i32 = arith.constant 0 : i32
    %c0_i32_0 = arith.constant 0 : i32
    return %arg0, %c0_i32 : i32, i32
  }
  func.func @transform_1(%arg0: i32) -> (i32, i32) {
    %c0_i32 = arith.constant 0 : i32
    %c0_i32_0 = arith.constant 0 : i32
    return %arg0, %c0_i32 : i32, i32
  }
  func.func @transform_2(%arg0: i32) -> (i32, i32) {
    %c0_i32 = arith.constant 0 : i32
    %c0_i32_0 = arith.constant 0 : i32
    %c0_i32_1 = arith.constant 0 : i32
    return %c0_i32, %c0_i32_0 : i32, i32
  }
  func.func @transform_3(%arg0: i32) -> (i32, i32) {
    %c0_i32 = arith.constant 0 : i32
    %c0_i32_0 = arith.constant 0 : i32
    %c0_i32_1 = arith.constant 0 : i32
    return %c0_i32, %c0_i32_0 : i32, i32
  }
  func.func @transform_4(%arg0: i32) -> (i32, i32) {
    %c0_i32 = arith.constant 0 : i32
    %c0_i32_0 = arith.constant 0 : i32
    %c0_i32_1 = arith.constant 0 : i32
    return %c0_i32, %c0_i32_0 : i32, i32
  }
  func.func @transform_5(%arg0: i32) -> (i32, i32) {
    %c0_i32 = arith.constant 0 : i32
    %c0_i32_0 = arith.constant 0 : i32
    %c0_i32_1 = arith.constant 0 : i32
    return %c0_i32, %c0_i32_0 : i32, i32
  }
  func.func @transform_6(%arg0: i32) -> (i32, i32) {
    %c0_i32 = arith.constant 0 : i32
    %c0_i32_0 = arith.constant 0 : i32
    %c0_i32_1 = arith.constant 0 : i32
    return %c0_i32, %c0_i32_0 : i32, i32
  }
  func.func @transform_7(%arg0: i32) -> (i32, i32) {
    %c0_i32 = arith.constant 0 : i32
    %c0_i32_0 = arith.constant 0 : i32
    %c0_i32_1 = arith.constant 0 : i32
    return %c0_i32, %c0_i32_0 : i32, i32
  }
  func.func @transform_8(%arg0: i32) -> (i32, i32) {
    %c0_i32 = arith.constant 0 : i32
    %c0_i32_0 = arith.constant 0 : i32
    %c0_i32_1 = arith.constant 0 : i32
    return %c0_i32, %c0_i32_0 : i32, i32
  }
  func.func @transform_9(%arg0: i32) -> (i32, i32) {
    %c0_i32 = arith.constant 0 : i32
    %c0_i32_0 = arith.constant 0 : i32
    %c0_i32_1 = arith.constant 0 : i32
    return %c0_i32, %c0_i32_0 : i32, i32
  }
  func.func @transform_10(%arg0: i32) -> (i32, i32) {
    %c0_i32 = arith.constant 0 : i32
    %c0_i32_0 = arith.constant 0 : i32
    return %arg0, %c0_i32 : i32, i32
  }
}

module attributes {stable_mosaic.version = 14 : i64} {
  func.func @_node_body(%arg0: i32, %arg1: memref<1000x128xf32, #tpu.memory_space<vmem>>, %arg2: memref<1000x128xf32, #tpu.memory_space<vmem>>, %arg3: memref<1000x128xf32, #tpu.memory_space<vmem>>, %arg4: memref<128x128xf32, #tpu.memory_space<vmem>>, %arg5: memref<1x128xf32, #tpu.memory_space<vmem>>, %arg6: memref<128x128xf32, #tpu.memory_space<vmem>>, %arg7: memref<1x128xf32, #tpu.memory_space<vmem>>, %arg8: memref<128x256xf32, #tpu.memory_space<vmem>>, %arg9: memref<1x256xf32, #tpu.memory_space<vmem>>, %arg10: memref<1x256xf32, #tpu.memory_space<vmem>>, %arg11: memref<1x256xf32, #tpu.memory_space<vmem>>, %arg12: memref<1000x256xf32, #tpu.memory_space<vmem>>) attributes {dimension_semantics = [#tpu.dimension_semantics<arbitrary>], iteration_bounds = array<i64: 10>, scalar_prefetch = 0 : i64, scratch_operands = 0 : i64, tpu.core_type = #tpu.core_type<tc>, window_params = [{transform_indices = @transform_0, window_bounds = array<i64: 1000, 128>}, {transform_indices = @transform_1, window_bounds = array<i64: 1000, 128>}, {transform_indices = @transform_2, window_bounds = array<i64: 1000, 128>}, {pipeline_mode = #tpu.pipeline_mode<synchronous>, transform_indices = @transform_3, window_bounds = array<i64: 128, 128>}, {pipeline_mode = #tpu.pipeline_mode<synchronous>, transform_indices = @transform_4, window_bounds = array<i64: 1, 128>}, {pipeline_mode = #tpu.pipeline_mode<synchronous>, transform_indices = @transform_5, window_bounds = array<i64: 128, 128>}, {pipeline_mode = #tpu.pipeline_mode<synchronous>, transform_indices = @transform_6, window_bounds = array<i64: 1, 128>}, {pipeline_mode = #tpu.pipeline_mode<synchronous>, transform_indices = @transform_7, window_bounds = array<i64: 128, 256>}, {pipeline_mode = #tpu.pipeline_mode<synchronous>, transform_indices = @transform_8, window_bounds = array<i64: 1, 256>}, {pipeline_mode = #tpu.pipeline_mode<synchronous>, transform_indices = @transform_9, window_bounds = array<i64: 1, 256>}, {pipeline_mode = #tpu.pipeline_mode<synchronous>, transform_indices = @transform_10, window_bounds = array<i64: 1, 256>}, {transform_indices = @transform_11, window_bounds = array<i64: 1000, 256>}]} {
    %get3A = arith.constant 0 : index
    %get3A_0 = arith.constant 0 : index
    %get3A_1 = vector.load %arg2[%get3A, %get3A_0] : memref<1000x128xf32, #tpu.memory_space<vmem>>, vector<1000x128xf32>
    %get3A_2 = arith.constant 0 : index
    %get3A_3 = arith.constant 0 : index
    %get3A_4 = vector.load %arg3[%get3A_2, %get3A_3] : memref<1000x128xf32, #tpu.memory_space<vmem>>, vector<1000x128xf32>
    %add3A = arith.addf %get3A_1, %get3A_4 : vector<1000x128xf32>
    %get3A_5 = arith.constant 0 : index
    %get3A_6 = arith.constant 0 : index
    %get3A_7 = vector.load %arg1[%get3A_5, %get3A_6] : memref<1000x128xf32, #tpu.memory_space<vmem>>, vector<1000x128xf32>
    %get3A_8 = arith.constant 0 : index
    %get3A_9 = arith.constant 0 : index
    %get3A_10 = vector.load %arg5[%get3A_8, %get3A_9] : memref<1x128xf32, #tpu.memory_space<vmem>>, vector<1x128xf32>
    %add3A_11 = vector.broadcast %get3A_10 : vector<1x128xf32> to vector<1000x128xf32>
    %add3A_12 = arith.addf %get3A_7, %add3A_11 : vector<1000x128xf32>
    %get3A_13 = arith.constant 0 : index
    %get3A_14 = arith.constant 0 : index
    %get3A_15 = vector.load %arg4[%get3A_13, %get3A_14] : memref<128x128xf32, #tpu.memory_space<vmem>>, vector<128x128xf32>
    %dot_general3A = arith.constant dense<0.000000e+00> : vector<1000x128xf32>
    %dot_general3A_16 = tpu.matmul %add3A, %get3A_15, %dot_general3A {dimension_numbers = #tpu.dot_dimension_numbers<[1], [0], [0], [1], [0, 0, 1, 1], [], []>, transpose_lhs_hint = false} : vector<1000x128xf32>, vector<128x128xf32>, vector<1000x128xf32> -> vector<1000x128xf32>
    %add3A_17 = arith.addf %add3A_12, %dot_general3A_16 : vector<1000x128xf32>
    %max3A = arith.constant 0.000000e+00 : f32
    %max3A_18 = vector.broadcast %max3A : f32 to vector<1000x128xf32>
    %max3A_19 = arith.maximumf %add3A_17, %max3A_18 : vector<1000x128xf32>
    %get3A_20 = arith.constant 0 : index
    %get3A_21 = arith.constant 0 : index
    %get3A_22 = vector.load %arg6[%get3A_20, %get3A_21] : memref<128x128xf32, #tpu.memory_space<vmem>>, vector<128x128xf32>
    %dot_general3A_23 = arith.constant dense<0.000000e+00> : vector<1000x128xf32>
    %dot_general3A_24 = tpu.matmul %max3A_19, %get3A_22, %dot_general3A_23 {dimension_numbers = #tpu.dot_dimension_numbers<[1], [0], [0], [1], [0, 0, 1, 1], [], []>, transpose_lhs_hint = false} : vector<1000x128xf32>, vector<128x128xf32>, vector<1000x128xf32> -> vector<1000x128xf32>
    %get3A_25 = arith.constant 0 : index
    %get3A_26 = arith.constant 0 : index
    %get3A_27 = vector.load %arg7[%get3A_25, %get3A_26] : memref<1x128xf32, #tpu.memory_space<vmem>>, vector<1x128xf32>
    %add3A_28 = vector.broadcast %get3A_27 : vector<1x128xf32> to vector<1000x128xf32>
    %add3A_29 = arith.addf %dot_general3A_24, %add3A_28 : vector<1000x128xf32>
    %max3A_30 = arith.constant 0.000000e+00 : f32
    %max3A_31 = vector.broadcast %max3A_30 : f32 to vector<1000x128xf32>
    %max3A_32 = arith.maximumf %add3A_29, %max3A_31 : vector<1000x128xf32>
    %get3A_33 = arith.constant 0 : index
    %get3A_34 = arith.constant 0 : index
    %get3A_35 = vector.load %arg8[%get3A_33, %get3A_34] : memref<128x256xf32, #tpu.memory_space<vmem>>, vector<128x256xf32>
    %dot_general3A_36 = arith.constant dense<0.000000e+00> : vector<1000x256xf32>
    %dot_general3A_37 = tpu.matmul %max3A_32, %get3A_35, %dot_general3A_36 {dimension_numbers = #tpu.dot_dimension_numbers<[1], [0], [0], [1], [0, 0, 1, 1], [], []>, transpose_lhs_hint = false} : vector<1000x128xf32>, vector<128x256xf32>, vector<1000x256xf32> -> vector<1000x256xf32>
    %get3A_38 = arith.constant 0 : index
    %get3A_39 = arith.constant 0 : index
    %get3A_40 = vector.load %arg9[%get3A_38, %get3A_39] : memref<1x256xf32, #tpu.memory_space<vmem>>, vector<1x256xf32>
    %add3A_41 = vector.broadcast %get3A_40 : vector<1x256xf32> to vector<1000x256xf32>
    %add3A_42 = arith.addf %dot_general3A_37, %add3A_41 : vector<1000x256xf32>
    %reduce_sum3A = arith.constant dense<0.000000e+00> : vector<1000xf32>
    %reduce_sum3A_43 = vector.multi_reduction <add>, %add3A_42, %reduce_sum3A [1] : vector<1000x256xf32> to vector<1000xf32>
    %broadcast_in_dim3A = vector.shape_cast %reduce_sum3A_43 : vector<1000xf32> to vector<1000x1xf32>
    %div3A = arith.constant 2.560000e+02 : f32
    %div3A_44 = vector.broadcast %div3A : f32 to vector<1000x1xf32>
    %div3A_45 = arith.divf %broadcast_in_dim3A, %div3A_44 : vector<1000x1xf32>
    %sub3A = vector.broadcast %div3A_45 : vector<1000x1xf32> to vector<1000x256xf32>
    %sub3A_46 = arith.subf %add3A_42, %sub3A : vector<1000x256xf32>
    %mul3A = arith.mulf %sub3A_46, %sub3A_46 : vector<1000x256xf32>
    %reduce_sum3A_47 = arith.constant dense<0.000000e+00> : vector<1000xf32>
    %reduce_sum3A_48 = vector.multi_reduction <add>, %mul3A, %reduce_sum3A_47 [1] : vector<1000x256xf32> to vector<1000xf32>
    %broadcast_in_dim3A_49 = vector.shape_cast %reduce_sum3A_48 : vector<1000xf32> to vector<1000x1xf32>
    %div3A_50 = arith.constant 2.560000e+02 : f32
    %div3A_51 = vector.broadcast %div3A_50 : f32 to vector<1000x1xf32>
    %div3A_52 = arith.divf %broadcast_in_dim3A_49, %div3A_51 : vector<1000x1xf32>
    %add3A_53 = arith.constant 9.99999974E-6 : f32
    %add3A_54 = vector.broadcast %add3A_53 : f32 to vector<1000x1xf32>
    %add3A_55 = arith.addf %div3A_52, %add3A_54 : vector<1000x1xf32>
    %rsqrt3A = math.rsqrt %add3A_55 : vector<1000x1xf32>
    %mul3A_56 = vector.broadcast %rsqrt3A : vector<1000x1xf32> to vector<1000x256xf32>
    %mul3A_57 = arith.mulf %sub3A_46, %mul3A_56 : vector<1000x256xf32>
    %get3A_58 = arith.constant 0 : index
    %get3A_59 = arith.constant 0 : index
    %get3A_60 = vector.load %arg10[%get3A_58, %get3A_59] : memref<1x256xf32, #tpu.memory_space<vmem>>, vector<1x256xf32>
    %mul3A_61 = vector.broadcast %get3A_60 : vector<1x256xf32> to vector<1000x256xf32>
    %mul3A_62 = arith.mulf %mul3A_57, %mul3A_61 : vector<1000x256xf32>
    %get3A_63 = arith.constant 0 : index
    %get3A_64 = arith.constant 0 : index
    %get3A_65 = vector.load %arg11[%get3A_63, %get3A_64] : memref<1x256xf32, #tpu.memory_space<vmem>>, vector<1x256xf32>
    %add3A_66 = vector.broadcast %get3A_65 : vector<1x256xf32> to vector<1000x256xf32>
    %add3A_67 = arith.addf %mul3A_62, %add3A_66 : vector<1000x256xf32>
    %swap3A = arith.constant 0 : index
    %swap3A_68 = arith.constant 0 : index
    %swap3A_69 = vector.load %arg12[%swap3A, %swap3A_68] : memref<1000x256xf32, #tpu.memory_space<vmem>>, vector<1000x256xf32>
    tpu.vector_store %arg12[%swap3A, %swap3A_68], %add3A_67 {strides = array<i32>} : memref<1000x256xf32, #tpu.memory_space<vmem>>, vector<1000x256xf32>,
    return
  }
  func.func @transform_0(%arg0: i32) -> (i32, i32) {
    %c0_i32 = arith.constant 0 : i32
    %c0_i32_0 = arith.constant 0 : i32
    return %arg0, %c0_i32 : i32, i32
  }
  func.func @transform_1(%arg0: i32) -> (i32, i32) {
    %c0_i32 = arith.constant 0 : i32
    %c0_i32_0 = arith.constant 0 : i32
    return %arg0, %c0_i32 : i32, i32
  }
  func.func @transform_2(%arg0: i32) -> (i32, i32) {
    %c0_i32 = arith.constant 0 : i32
    %c0_i32_0 = arith.constant 0 : i32
    return %arg0, %c0_i32 : i32, i32
  }
  func.func @transform_3(%arg0: i32) -> (i32, i32) {
    %c0_i32 = arith.constant 0 : i32
    %c0_i32_0 = arith.constant 0 : i32
    %c0_i32_1 = arith.constant 0 : i32
    return %c0_i32, %c0_i32_0 : i32, i32
  }
  func.func @transform_4(%arg0: i32) -> (i32, i32) {
    %c0_i32 = arith.constant 0 : i32
    %c0_i32_0 = arith.constant 0 : i32
    %c0_i32_1 = arith.constant 0 : i32
    return %c0_i32, %c0_i32_0 : i32, i32
  }
  func.func @transform_5(%arg0: i32) -> (i32, i32) {
    %c0_i32 = arith.constant 0 : i32
    %c0_i32_0 = arith.constant 0 : i32
    %c0_i32_1 = arith.constant 0 : i32
    return %c0_i32, %c0_i32_0 : i32, i32
  }
  func.func @transform_6(%arg0: i32) -> (i32, i32) {
    %c0_i32 = arith.constant 0 : i32
    %c0_i32_0 = arith.constant 0 : i32
    %c0_i32_1 = arith.constant 0 : i32
    return %c0_i32, %c0_i32_0 : i32, i32
  }
  func.func @transform_7(%arg0: i32) -> (i32, i32) {
    %c0_i32 = arith.constant 0 : i32
    %c0_i32_0 = arith.constant 0 : i32
    %c0_i32_1 = arith.constant 0 : i32
    return %c0_i32, %c0_i32_0 : i32, i32
  }
  func.func @transform_8(%arg0: i32) -> (i32, i32) {
    %c0_i32 = arith.constant 0 : i32
    %c0_i32_0 = arith.constant 0 : i32
    %c0_i32_1 = arith.constant 0 : i32
    return %c0_i32, %c0_i32_0 : i32, i32
  }
  func.func @transform_9(%arg0: i32) -> (i32, i32) {
    %c0_i32 = arith.constant 0 : i32
    %c0_i32_0 = arith.constant 0 : i32
    %c0_i32_1 = arith.constant 0 : i32
    return %c0_i32, %c0_i32_0 : i32, i32
  }
  func.func @transform_10(%arg0: i32) -> (i32, i32) {
    %c0_i32 = arith.constant 0 : i32
    %c0_i32_0 = arith.constant 0 : i32
    %c0_i32_1 = arith.constant 0 : i32
    return %c0_i32, %c0_i32_0 : i32, i32
  }
  func.func @transform_11(%arg0: i32) -> (i32, i32) {
    %c0_i32 = arith.constant 0 : i32
    %c0_i32_0 = arith.constant 0 : i32
    return %arg0, %c0_i32 : i32, i32
  }
}

</mosaic_0001>

<sc_bundles>
// kernel: kernel.10.cloned.1.call-start
scs
__scs_entry_jumppad:
0x0: {  	(pc) =	sbr.rel $0x88, $3  }
0x1: {  	(tag) =	ssettag $0x0;
	lr =	simm.s32 $0x1  }
0x2: {  	[smem:$0x3F8E] =	sst lr;
	_ =	strace $0xD0000000  }
0x3: {  	_ = 	snop  }
0x4: {  	_ = 	snop  }
0x5: {  	_ = 	snop  }
0x6: {  	_ = 	snop  }
0x7: {  	_ = 	snop  }
__scs_overlays_trampoline_lowered:
0x8: {  	[smem:$0x3F9D] =	sst s0  }
0x9: {  	[smem:$0x3F9E] =	sst s1  }
0xa: {  	[smem:$0x3F9F] =	sst s2  }
0xb: {  	[smem:$0x3FA0] =	sst s3  }
0xc: {  	[smem:$0x3FA1] =	sst s4  }
0xd: {  	[smem:$0x3FA2] =	sst s5  }
0xe: {  	[smem:$0x3FA3] =	sst s6  }
0xf: {  	[smem:$0x3FA4] =	sst s7  }
0x10: {  	[smem:$0x3FA5] =	sst s8  }
0x11: {  	[smem:$0x3FA6] =	sst s9;
	s0 =	simm.s32 @!p0 $0x0  }
0x12: {  	s1 =	sld [smem:$0x3F8C];
	s0 =	simm.s32 @p0 $0x1  }
0x13: {  	[smem:$0x3FA7] =	sst s0;
	s0 =	simm.s32 @!p1 $0x0  }
0x14: {  	s2 =	sld [smem:$0x3F8B];
	s0 =	simm.s32 @p1 $0x1  }
0x15: {  	[smem:$0x3FA8] =	sst s0;
	s0 =	simm.s32 @!p2 $0x0  }
0x16: {  	s3 =	sld [smem:$0x3FDB];
	s0 =	simm.s32 @p2 $0x1  }
0x17: {  	s4 =	simm.s32 $0x1BF5;
	[smem:$0x3FAA] =	sst s0  }
0x18: {  	s0 =	sld [smem:$0x3F8D];
	_ =	swait.ge [sflag:s4], $0x0  }
0x19: {  	s7 =	sld [smem:$0x3F8E]  }
0x1a: {  	s8 =	sadd.s32 $0xFFFFE003, lr  }
0x1b: {  	s9 =	sadd.s32 $0xFFFFFEF7, lr;
	s5 =	simm.s32 $0xFFFFFFFF;
	p2 =	slt.u32 s8, $0xFFFFF086  }
0x1c: {  	p1 =	slt.u32 s9, $0xF7A;
	s5 =	simm.s32 @!p2 $0x0  }
0x1d: {  	s5 =	simm.s32 @p1 $0x1;
	p0 =	seq.s32 s7, s2  }
0x1e: {  	s7 =	smul.u32 @!p0 $0xF7A, s2;
	p2 =	seq.s32 @!p0 s5, $0x0  }
0x1f: {  	s9 =	smul.u32 $0xF7A, s1;
	s8 =	simm.s32 @!p0 $0x1BF5;
	p2 =	por !p2, p0  }
0x20: {  	[sflag:s8] =	ssyncset.s32 @!p0 $0xFFFFF086;
	s6 =	sadd.s32 @!p0 s3, s7;
	s7 =	simm.s32 @!p0 $0x108  }
0x21: {  	s3 =	sadd.s32 s3, s9;
	s6 =	sadd.s32 @!p0 $0x88, s6;
	s7 =	simm.s32 @p2 $0x1082  }
0x22: {  	[simem:s7], [sflag:s8] =	dma.local @!p0 [hbm:s6], $0xF7A  }
0x23: {  	s9 =	sor.u32 $0xD0000000, s2;
	s6 =	simm.s32 $0x108;
	_ =	swait.ge @!p0 [sflag:s8], $0x0  }
0x24: {  	s3 =	sadd.s32 $0x88, s3;
	s6 =	simm.s32 @!p1 $0x1082;
	[sflag:s4] =	ssyncset.s32 $0xFFFFF086  }
0x25: {  	[simem:s6], [sflag:s4] =	dma.local [hbm:s3], $0xF7A  }
0x26: {  	[smem:$0x3F8E] =	sst s1;
	(tag) =	ssettag s2;
	_ =	strace s9  }
0x27: {  	s1 =	sld [smem:$0x3F9E]  }
0x28: {  	s2 =	sld [smem:$0x3F9F]  }
0x29: {  	s4 =	sld [smem:$0x3FA1]  }
0x2a: {  	p0 =	seq.s32 s5, $0x0;
	s5 =	sld [smem:$0x3FA2]  }
0x2b: {  	s6 =	sld [smem:$0x3FA3]  }
0x2c: {  	s7 =	sld [smem:$0x3FA4]  }
0x2d: {  	s3 =	simm.s32 $0x108;
	s8 =	sld [smem:$0x3FA5]  }
0x2e: {  	s3 =	simm.s32 @!p0 $0x1082;
	s9 =	sld [smem:$0x3FA6]  }
0x2f: {  	lr =	sadd.s32 s0, s3;
	s0 =	sld [smem:$0x3F9D]  }
0x30: {  	s3 =	sld [smem:$0x3FA0]  }
0x31: {  	[smem:$0x3FA9] =	sst s10  }
0x32: {  	s10 =	sld [smem:$0x3FA7];
	_ =	sdelay $0x3  }
0x33: {  	p0 =	seq.s32 s10, $0x1;
	s10 =	sld [smem:$0x3FA9];
	_ =	sdelay $0x3  }
0x34: {  	[smem:$0x3FA9] =	sst s10  }
0x35: {  	s10 =	sld [smem:$0x3FA8];
	_ =	sdelay $0x3  }
0x36: {  	p1 =	seq.s32 s10, $0x1;
	s10 =	sld [smem:$0x3FA9];
	_ =	sdelay $0x3  }
0x37: {  	[smem:$0x3FA9] =	sst s10  }
0x38: {  	s10 =	sld [smem:$0x3FAA]  }
0x39: {  	_ = 	snop;
	(pc) =	sbr.ind lr, $3  }
0x3a: {  	_ = 	snop  }
0x3b: {  	_ = 	snop  }
0x3c: {  	p2 =	seq.s32 s10, $0x1;
	s10 =	sld [smem:$0x3FA9]  }
0x3d: {  	_ =	shalt  }
0x3e: {  	_ =	shalt  }
0x3f: {  	_ =	shalt  }
0x40: {  	_ =	shalt  }
0x41: {  	_ =	shalt  }
0x42: {  	_ =	shalt  }
0x43: {  	_ =	shalt  }
0x44: {  	_ =	shalt  }
0x45: {  	_ =	shalt  }
0x46: {  	_ =	shalt  }
0x47: {  	_ =	shalt  }
0x48: {  	_ =	shalt  }
0x49: {  	_ =	shalt  }
0x4a: {  	_ =	shalt  }
0x4b: {  	_ =	shalt  }
0x4c: {  	_ =	shalt  }
0x4d: {  	_ =	shalt  }
0x4e: {  	_ =	shalt  }
0x4f: {  	_ =	shalt  }
0x50: {  	_ =	shalt  }
0x51: {  	_ =	shalt  }
0x52: {  	_ =	shalt  }
0x53: {  	_ =	shalt  }
0x54: {  	_ =	shalt  }
0x55: {  	_ =	shalt  }
0x56: {  	_ =	shalt  }
0x57: {  	_ =	shalt  }
0x58: {  	_ =	shalt  }
0x59: {  	_ =	shalt  }
0x5a: {  	_ =	shalt  }
0x5b: {  	_ =	shalt  }
0x5c: {  	_ =	shalt  }
0x5d: {  	_ =	shalt  }
0x5e: {  	_ =	shalt  }
0x5f: {  	_ =	shalt  }
0x60: {  	_ =	shalt  }
0x61: {  	_ =	shalt  }
0x62: {  	_ =	shalt  }
0x63: {  	_ =	shalt  }
0x64: {  	_ =	shalt  }
0x65: {  	_ =	shalt  }
0x66: {  	_ =	shalt  }
0x67: {  	_ =	shalt  }
0x68: {  	_ =	shalt  }
0x69: {  	_ =	shalt  }
0x6a: {  	_ =	shalt  }
0x6b: {  	_ =	shalt  }
0x6c: {  	_ =	shalt  }
0x6d: {  	_ =	shalt  }
0x6e: {  	_ =	shalt  }
0x6f: {  	_ =	shalt  }
0x70: {  	_ =	shalt  }
0x71: {  	_ =	shalt  }
0x72: {  	_ =	shalt  }
0x73: {  	_ =	shalt  }
0x74: {  	_ =	shalt  }
0x75: {  	_ =	shalt  }
0x76: {  	_ =	shalt  }
0x77: {  	_ =	shalt  }
0x78: {  	_ =	shalt  }
0x79: {  	_ =	shalt  }
0x7a: {  	_ =	shalt  }
0x7b: {  	_ =	shalt  }
0x7c: {  	_ =	shalt  }
0x7d: {  	_ =	shalt  }
0x7e: {  	_ =	shalt  }
0x7f: {  	_ =	shalt  }
0x80: {  	_ =	shalt  }
0x81: {  	_ =	shalt  }
0x82: {  	_ =	shalt  }
0x83: {  	_ =	shalt  }
0x84: {  	_ =	shalt  }
0x85: {  	_ =	shalt  }
0x86: {  	_ =	shalt  }
0x87: {  	_ =	shalt  }
.Lfunc_end0:
.L_simem_size_0:
called_computation.1_lowered:
.L_overlay_start_0:
0x88: {  	s2 =	sld [smem:$0x3FD9]  }
0x89: {  	s3 =	sld [smem:$0x3FFE];
	_ =	sdelay $0x1  }
0x8a: {  	s1 =	srdreg.scid  }
0x8b: {  	s0 =	sand.u32 $0x1, s1  }
0x8c: {  	s14 =	sshll.u32 s0, $0xA;
	s2 =	sadd.s32 s3, s2  }
0x8d: {  	s2 =	sadd.s32 s2, s14  }
0x8e: {  	[smem:$0x3FB5] =	sst s2  }
0x8f: {  	_ = 	snop  }
0x90: {  	s2 =	sld [smem:$0x3FD0];
	_ =	sdelay $0x2  }
0x91: {  	s15 =	simm.s32 $0xA;
	s4 =	simm.s32 $0x10  }
0x92: {  	[smem:s4], [sflag:s15] =	dma.local [hbm:s2], $0x1  }
0x93: {  	_ =	swait.eq [sflag:s15], $0x1  }
0x94: {  	[sflag:s15] =	ssyncset.done $0x0  }
0x95: {  	[sflag:s15] =	ssyncadd.s32 $0xFFFFFFFF  }
0x96: {  	s16 =	sld [smem:$0x11];
	(tm) =	ssettm $0x1  }
0x97: {  	s17 =	sld [smem:$0x3FFB];
	_ =	sdelay $0x3  }
0x98: {  	_ =	strace s17  }
0x99: {  	s3 =	sld [smem:$0x3FFC];
	_ =	sdelay $0x3  }
0x9a: {  	_ =	strace s3  }
0x9b: {  	s3 =	sld [smem:$0x3FFD];
	_ =	sdelay $0x3  }
0x9c: {  	_ =	strace s3  }
0x9d: {  	_ =	strace $0x8FFFFFFF  }
0x9e: {  	s18 =	sld [smem:$0x3FDB];
	_ =	sdelay $0x1  }
0x9f: {  	s19 =	simm.s32 $_scs_section_size  }
0xa0: {  	s5 =	simm.s32 $_size__tile_overlayer_lowered;
	s6 =	simm.s32 $_tile_overlayer_lowered  }
0xa1: {  	s22 =	simm.s32 $0x1BFF;
	s21 =	sshll.u32 s6, $0x1;
	s3 =	sadd.s32 s19, s18  }
0xa2: {  	s7 =	simm.s32 $0x0;
	s20 =	sshll.u32 s5, $0x1;
	s5 =	sadd.s32 s21, s3  }
0xa3: {  	[timem:s7], [sflag:s22] =	dma.local [hbm:s5], s20  }
0xa4: {  	_ =	swait.ge [sflag:s22], s20  }
0xa5: {  	s4 =	ssub.s32 $0x0, s20;
	[sflag:s22] =	ssyncset.done $0x0  }
0xa6: {  	[sflag:s22] =	ssyncadd.s32 s4;
	_ =	sdelay $0x1  }
0xa7: {  	s23 =	simm.s32 $0x1B8B  }
0xa8: {  	_ =	swait.ge [sflag:s23], $0x1  }
0xa9: {  	[sflag:s23] =	ssyncset.done $0x0  }
0xaa: {  	s25 =	simm.s32 $0x1B8E;
	s24 =	sld [smem:$0x3FFE];
	[sflag:s23] =	ssyncadd.s32 $0xFFFFFFFF  }
0xab: {  	s26 =	simm.s32 $execute0_lowered;
	[smem:$0x3FD2] =	sst s25  }
0xac: {  	s5 =	sshll.u32 s26, $0x1;
	_ =	strace $0x80000049;
	[dreg:$0x1] =	wrdreg $0xFFFFFFFF  }
0xad: {  	s28 =	simm.s32 $_size_execute0_lowered;
	s3 =	sadd.s32 s3, s5;
	[dreg:$0x0] =	wrdreg $0x0  }
0xae: {  	s5 =	sshll.u32 s28, $0x1;
	[dreg:$0x2] =	wrdreg s3  }
0xaf: {  	[dreg:$0x3] =	wrdreg s5  }
0xb0: {  	[dreg:$0x4] =	wrdreg $0xC0  }
0xb1: {  	_ =	task [dreg:s7], $0x5FFFF  }
0xb2: {  	[dreg:$0x1] =	wrdreg $0xFFFFFFFF  }
0xb3: {  	[dreg:$0x0] =	wrdreg $0x60  }
0xb4: {  	[dreg:$0x2] =	wrdreg s16  }
0xb5: {  	[dreg:$0x3] =	wrdreg s24  }
0xb6: {  	[dreg:$0x4] =	wrdreg $0x85800  }
0xb7: {  	[dreg:$0x5] =	wrdreg $0x9  }
0xb8: {  	_ =	task.clear_ibuf [dreg:s7], $0x6FFFF;
	_ =	strace $0x90000049  }
0xb9: {  	s29 =	simm.s32 $0x9;
	_ =	strace $0x8000004B  }
0xba: {  	_ =	swait.ge [sflag:s29], $0x1  }
0xbb: {  	[sflag:s29] =	ssyncadd.s32 $0xFFFFFFFF  }
0xbc: {  	_ =	strace $0x9000004B  }
0xbd: {  	_ =	sfence  }
0xbe: {  	s30 =	sld [smem:$0x0];
	_ =	sdelay $0x2  }
0xbf: {  	s31 =	sshll.u32 s1, $0xD;
	s1 =	sshrl.u32 s1, $0x2  }
0xc0: {  	s3 =	sand.u32 $0x4000, s31;
	s1 =	sadd.s32 s1, s30  }
0xc1: {  	s0 =	sor.u32 s3, s0;
	s1 =	sshll.u32 s1, $0x11  }
0xc2: {  	s0 =	sor.u32 s1, s0  }
0xc3: {  	s0 =	sadd.s32 $0x8F2B, s0  }
0xc4: {  	[sflag:s0] =	ssyncadd.remote.s32 $0x1  }
0xc5: {  	_ =	sfence.sel $0xFFFF  }
0xc6: {  	[dreg:$0x0] =	wrdreg $0xFFFFFFFF;
	(pc) =	sbr.abs _section_cstart, $3  }
0xc7: {  	[dreg:$0x1] =	wrdreg $0xFFFFFFFF  }
0xc8: {  	_ =	task.clear_ibuf [dreg:s7], $0x2FFFF;
	_ =	strace $0x9FFFFFFF  }
0xc9: {  	(tm) =	ssettm $0x7FFFFFFF  }
tec
execute0_lowered:
.L_overlay_start_1:
0x0: {  	(tag) =	ssettag $0x1  }
0x1: {  	s0 =	rddreg [dreg:$0x0]  }
0x2: {  	s2 =	rddreg [dreg:$0x1]  }
0x3: {  	s1 =	rddreg [dreg:$0x2];
	s3 =	simm.s32 $0x0  }
0x4: {  	s5 =	srdreg.scid;
	s11 =	stileid.u32;
	s28 =	simm.s32 $0x3  }
0x5: {  	s29 =	simm.s32 $0x4;
	s30 =	simm.s32 $0x8100;
	s31 =	simm.s32 $0x8180  }
0x6: {  	[smem:$0x7FF] =	sst s3;
	s4 =	sadd.s32 $0x8000, s2;
	s6 =	smul.u32 $0x2800, s11  }
0x7: {  	s5 =	sand.u32 $0x1, s5;
	s7 =	sadd.s32 $0x3000, s2;
	s10 =	smul.u32 $0x50000, s11  }
0x8: {  	s8 =	sshll.u32 s11, $0x1;
	s14 =	sshll.u32 s11, $0x6;
	s24 =	smul.u32 $0x27100, s11  }
0x9: {  	_ =	strace $0x8000004A;
	s25 =	smul.u32 $0x28000, s5;
	s9 =	ssub.s32 $0x2, s5  }
0xa: {  	[dreg:$0x4] =	wrdreg s7;
	s8 =	sor.u32 s5, s8;
	s26 =	sshrl.u32 s9, $0x1  }
0xb: {  	s13 =	smul.u32 $0x1388, s8;
	s12 =	sshrl.u32 s10, $0x2;
	s6 =	sadd.s32 s6, s25  }
0xc: {  	s8 =	smul.u32 $0x13880, s8;
	s7 =	sadd.s32 s12, s1;
	s2 =	sadd.s32 s6, s2  }
0xd: {  	s6 =	ssub.s32 s9, s26;
	s15 =	sshrl.u32 s13, $0x3;
	[dreg:$0x5] =	wrdreg s7  }
0xe: {  	s7 =	sor.u32 $0x1C05, s14;
	s8 =	sadd.s32 s0, s8;
	s17 =	sadd.s32 $0x80, s13  }
0xf: {  	s18 =	sadd.s32 $0x1300, s13;
	s21 =	sadd.s32 $0x1380, s13;
	s16 =	sadd.s32 s4, s15  }
0x10: {  	[dreg:$0x7] =	wrdreg s8;
	s19 =	sshrl.u32 s17, $0x3;
	s8 =	sshll.u32 s17, $0x4  }
0x11: {  	s12 =	sshrl.u32 s18, $0x3;
	s20 =	sshll.u32 s18, $0x4;
	s17 =	smul.u32 $0x1388, s5  }
0x12: {  	s22 =	sshrl.u32 s21, $0x3;
	s23 =	sshll.u32 s21, $0x4;
	s5 =	smul.u32 $0x13880, s5  }
0x13: {  	s21 =	simm.s32 $0x5;
	[dreg:$0x6] =	wrdreg s16;
	s10 =	sadd.s32 s4, s19  }
0x14: {  	s8 =	sadd.s32 s0, s8;
	s12 =	sadd.s32 s4, s12;
	s16 =	smul.u32 $0x2710, s11  }
0x15: {  	s13 =	sadd.s32 s0, s20;
	s14 =	sadd.s32 s4, s22;
	s15 =	sadd.s32 s0, s23  }
0x16: {  	s0 =	sadd.s32 s24, s0;
	s22 =	simm.s32 $0x80;
	[dreg:$0x8] =	wrdreg s10  }
0x17: {  	s23 =	simm.s32 $0x4080;
	s24 =	simm.s32 $0x4100;
	[dreg:$0x9] =	wrdreg s8  }
0x18: {  	s0 =	sadd.s32 s5, s0;
	s25 =	sadd.s32 s17, s16;
	s16 =	sadd.s32 $0xD000, s2  }
0x19: {  	s17 =	smax.u32 s6, $0x1;
	s9 =	sadd.s32 $0x1800, s0;
	s26 =	sadd.s32 $0x180, s25  }
0x1a: {  	s20 =	sadd.s32 $0x100, s25;
	s25 =	simm.s32 $0x1;
	s2 =	sshrl.u32 s26, $0x3  }
0x1b: {  	s26 =	simm.s32 $0x2;
	s19 =	sadd.s32 s2, s4;
	s2 =	simm.s32 $0x0  }
.LBB2_1:
0x1c: {  	s0 =	rddreg [dreg:$0x5]  }
0x1d: {  	s5 =	rddreg [dreg:$0x4];
	s0 =	sshrl.u32 s0, $0x3  }
0x1e: {  	[spmem:s0], [sflag:s7] =	dma.local [hbm:s5], $0x2800  }
0x1f: {  	_ =	swait.ge [sflag:s21], $0x2800  }
0x20: {  	[sflag:s21] =	ssyncset.done $0x0  }
0x21: {  	[sflag:s21] =	ssyncadd.s32 $0xFFFFD800  }
0x22: {  	[bflag:$0x0] =	sbarrier.arrive $0xFFFF  }
0x23: {  	s11 =	rddreg [dreg:$0x6]  }
0x24: {  	[tilespmem:s3], [sflag:$0x1] =	stream.linear.gather [hbm4b:s11+s3], $0x80, $0x38;
	[tilespmem:$0x1C580] =	vst v63  }
0x25: {  	s18 =	rddreg [dreg:$0x7]  }
0x26: {  	[tilespmem:s22], [sflag:$0x2] =	stream.linear.gather [hbm4b:s18+s3], $0x4000, $0x38;
	[tilespmem:$0x1C580] =	vst v63  }
0x27: {  	s6 =	rddreg [dreg:$0x8]  }
0x28: {  	[tilespmem:s23], [sflag:$0x3] =	stream.linear.gather [hbm4b:s6+s3], $0x80, $0x38;
	[tilespmem:$0x1C580] =	vst v63  }
0x29: {  	s8 =	rddreg [dreg:$0x9]  }
0x2a: {  	[tilespmem:s24], [sflag:$0x4] =	stream.linear.gather [hbm4b:s8+s3], $0x4000, $0x38;
	[tilespmem:$0x1C580] =	vst v63  }
0x2b: {  	_ =	swait.ge [sflag:s25], $0x80  }
0x2c: {  	[sflag:s25] =	ssyncset.done $0x0  }
0x2d: {  	[sflag:s25] =	ssyncadd.s32 $0xFFFFFF80  }
0x2e: {  	_ =	swait.ge [sflag:s26], $0x4000  }
0x2f: {  	[sflag:s26] =	ssyncset.done $0x0  }
0x30: {  	[sflag:s26] =	ssyncadd.s32 $0xFFFFC000  }
0x31: {  	[spmem:s1] =	stream.indirect.scatter.add.f32 [tilespmem:s22], [sflag:$0x5], $0x80, s3, s22, $0xb8;
	[tilespmem:$0x1C580] =	vst v63  }
0x32: {  	_ =	swait.ge [sflag:s21], $0x4000  }
0x33: {  	s10 =	sshrl.u32 s20, $0x3;
	[sflag:s21] =	ssyncset.done $0x0  }
0x34: {  	s5 =	sadd.s32 s4, s10;
	[sflag:s21] =	ssyncadd.s32 $0xFFFFC000  }
0x35: {  	[tilespmem:s3], [sflag:$0x1] =	stream.linear.gather [hbm4b:s5+s3], $0x80, $0x38;
	[tilespmem:$0x1C580] =	vst v63  }
0x36: {  	s11 =	sadd.s32 $0xFFFFF800, s9  }
0x37: {  	[tilespmem:s22], [sflag:$0x2] =	stream.linear.gather [hbm4b:s11+s3], $0x4000, $0x38;
	[tilespmem:$0x1C580] =	vst v63  }
0x38: {  	_ =	swait.ge [sflag:s28], $0x80  }
0x39: {  	[sflag:s28] =	ssyncset.done $0x0  }
0x3a: {  	[sflag:s28] =	ssyncadd.s32 $0xFFFFFF80  }
0x3b: {  	_ =	swait.ge [sflag:s29], $0x4000  }
0x3c: {  	[sflag:s29] =	ssyncset.done $0x0  }
0x3d: {  	[sflag:s29] =	ssyncadd.s32 $0xFFFFC000  }
0x3e: {  	[spmem:s1] =	stream.indirect.scatter.add.f32 [tilespmem:s24], [sflag:$0x5], $0x80, s23, s22, $0xb8;
	[tilespmem:$0x1C580] =	vst v63  }
0x3f: {  	_ =	swait.ge [sflag:s21], $0x4000  }
0x40: {  	[sflag:s21] =	ssyncset.done $0x0  }
0x41: {  	s18 =	sadd.s32 $0x0, s19;
	s6 =	sadd.s32 $0x1000, s9;
	[sflag:s21] =	ssyncadd.s32 $0xFFFFC000  }
0x42: {  	[tilespmem:s23], [sflag:$0x3] =	stream.linear.gather [hbm4b:s18+s3], $0x80, $0x38;
	[tilespmem:$0x1C580] =	vst v63  }
0x43: {  	s8 =	sadd.s32 $0x100, s20;
	s5 =	simm.s32 $0x20;
	s18 =	smov.u32 s9  }
.LBB2_2:
0x44: {  	[tilespmem:s24], [sflag:$0x4] =	stream.linear.gather [hbm4b:s18+s3], $0x4000, $0x38;
	[tilespmem:$0x1C580] =	vst v63  }
0x45: {  	s10 =	smov.u32 s5;
	s18 =	smov.u32 s6  }
0x46: {  	p0 =	sne.s32 s5, $0x220;
	s5 =	sadd.s32 $0x20, s5;
	_ =	swait.ge [sflag:s25], $0x80  }
0x47: {  	[sflag:s25] =	ssyncset.done $0x0  }
0x48: {  	[sflag:s25] =	ssyncadd.s32 $0xFFFFFF80  }
0x49: {  	_ =	swait.ge [sflag:s26], $0x4000  }
0x4a: {  	[sflag:s26] =	ssyncset.done $0x0  }
0x4b: {  	[sflag:s26] =	ssyncadd.s32 $0xFFFFC000  }
0x4c: {  	[spmem:s1] =	stream.indirect.scatter.add.f32 [tilespmem:s22], [sflag:$0x5], $0x80, s3, s22, $0xb8;
	[tilespmem:$0x1C580] =	vst v63  }
0x4d: {  	_ =	swait.ge [sflag:s21], $0x4000  }
0x4e: {  	s11 =	sshrl.u32 s8, $0x3;
	[sflag:s21] =	ssyncset.done $0x0  }
0x4f: {  	s11 =	sadd.s32 s4, s11;
	[sflag:s21] =	ssyncadd.s32 $0xFFFFC000  }
0x50: {  	[tilespmem:s3], [sflag:$0x1] =	stream.linear.gather [hbm4b:s11+s3], $0x80, $0x38;
	[tilespmem:$0x1C580] =	vst v63  }
0x51: {  	s11 =	sadd.s32 $0xFFFFF800, s6  }
0x52: {  	[tilespmem:s22], [sflag:$0x2] =	stream.linear.gather [hbm4b:s11+s3], $0x4000, $0x38;
	[tilespmem:$0x1C580] =	vst v63  }
0x53: {  	_ =	swait.ge [sflag:s28], $0x80  }
0x54: {  	[sflag:s28] =	ssyncset.done $0x0  }
0x55: {  	[sflag:s28] =	ssyncadd.s32 $0xFFFFFF80  }
0x56: {  	_ =	swait.ge [sflag:s29], $0x4000  }
0x57: {  	[sflag:s29] =	ssyncset.done $0x0  }
0x58: {  	[sflag:s29] =	ssyncadd.s32 $0xFFFFC000  }
0x59: {  	[spmem:s1] =	stream.indirect.scatter.add.f32 [tilespmem:s24], [sflag:$0x5], $0x80, s23, s22, $0xb8;
	[tilespmem:$0x1C580] =	vst v63  }
.Ltmp0:
0x5a: {  	_ =	swait.ge [sflag:s21], $0x4000;
	(pc) =	sbr.rel @p0 .LBB2_2-.Ltmp0, $4  }
0x5b: {  	[sflag:s21] =	ssyncset.done $0x0  }
0x5c: {  	s10 =	sadd.s32 s10, s19;
	[sflag:s21] =	ssyncadd.s32 $0xFFFFC000  }
0x5d: {  	[tilespmem:s23], [sflag:$0x3] =	stream.linear.gather [hbm4b:s10+s3], $0x80, $0x38;
	[tilespmem:$0x1C580] =	vst v63  }
0x5e: {  	s8 =	sadd.s32 $0x100, s8;
	s6 =	sadd.s32 $0x1000, s6  }
0x5f: {  	[tilespmem:s24], [sflag:$0x4] =	stream.linear.gather [hbm4b:s18+s3], $0x4000, $0x38;
	[tilespmem:$0x1C580] =	vst v63  }
0x60: {  	_ =	swait.ge [sflag:s25], $0x80  }
0x61: {  	[sflag:s25] =	ssyncset.done $0x0  }
0x62: {  	[sflag:s25] =	ssyncadd.s32 $0xFFFFFF80  }
0x63: {  	_ =	swait.ge [sflag:s26], $0x4000  }
0x64: {  	[sflag:s26] =	ssyncset.done $0x0  }
0x65: {  	[sflag:s26] =	ssyncadd.s32 $0xFFFFC000  }
0x66: {  	[spmem:s1] =	stream.indirect.scatter.add.f32 [tilespmem:s22], [sflag:$0x5], $0x80, s3, s22, $0xb8;
	[tilespmem:$0x1C580] =	vst v63  }
0x67: {  	_ =	swait.ge [sflag:s21], $0x4000  }
0x68: {  	[sflag:s21] =	ssyncset.done $0x0  }
0x69: {  	[sflag:s21] =	ssyncadd.s32 $0xFFFFC000  }
0x6a: {  	[tilespmem:s3], [sflag:$0x1] =	stream.linear.gather [hbm4b:s12+s3], $0x80, $0x38;
	[tilespmem:$0x1C580] =	vst v63  }
0x6b: {  	_ = 	snop  }
0x6c: {  	[tilespmem:s22], [sflag:$0x2] =	stream.linear.gather [hbm4b:s13+s3], $0x4000, $0x38;
	[tilespmem:$0x1C580] =	vst v63  }
0x6d: {  	_ =	swait.ge [sflag:s28], $0x80  }
0x6e: {  	[sflag:s28] =	ssyncset.done $0x0  }
0x6f: {  	[sflag:s28] =	ssyncadd.s32 $0xFFFFFF80  }
0x70: {  	_ =	swait.ge [sflag:s29], $0x4000  }
0x71: {  	[sflag:s29] =	ssyncset.done $0x0  }
0x72: {  	[sflag:s29] =	ssyncadd.s32 $0xFFFFC000  }
0x73: {  	[spmem:s1] =	stream.indirect.scatter.add.f32 [tilespmem:s24], [sflag:$0x5], $0x80, s23, s22, $0xb8;
	[tilespmem:$0x1C580] =	vst v63  }
0x74: {  	_ =	swait.ge [sflag:s21], $0x4000  }
0x75: {  	[sflag:s21] =	ssyncset.done $0x0  }
0x76: {  	[sflag:s21] =	ssyncadd.s32 $0xFFFFC000  }
0x77: {  	[tilespmem:s30], [sflag:$0x3] =	stream.linear.gather [hbm4b:s14+s3], $0x8, $0x38;
	[tilespmem:$0x1C580] =	vst v63  }
0x78: {  	_ = 	snop  }
0x79: {  	[tilespmem:s31], [sflag:$0x4] =	stream.linear.gather [hbm4b:s15+s3], $0x400, $0x38;
	[tilespmem:$0x1C580] =	vst v63  }
0x7a: {  	_ =	swait.ge [sflag:s25], $0x80  }
0x7b: {  	[sflag:s25] =	ssyncset.done $0x0  }
0x7c: {  	[sflag:s25] =	ssyncadd.s32 $0xFFFFFF80  }
0x7d: {  	_ =	swait.ge [sflag:s26], $0x4000  }
0x7e: {  	[sflag:s26] =	ssyncset.done $0x0  }
0x7f: {  	[sflag:s26] =	ssyncadd.s32 $0xFFFFC000  }
0x80: {  	[spmem:s1] =	stream.indirect.scatter.add.f32 [tilespmem:s22], [sflag:$0x5], $0x80, s3, s22, $0xb8;
	[tilespmem:$0x1C580] =	vst v63  }
0x81: {  	_ =	swait.ge [sflag:s21], $0x4000  }
0x82: {  	[sflag:s21] =	ssyncset.done $0x0  }
0x83: {  	[sflag:s21] =	ssyncadd.s32 $0xFFFFC000  }
0x84: {  	_ =	swait.ge [sflag:s28], $0x8  }
0x85: {  	[sflag:s28] =	ssyncset.done $0x0  }
0x86: {  	[sflag:s28] =	ssyncadd.s32 $0xFFFFFFF8  }
0x87: {  	_ =	swait.ge [sflag:s29], $0x400  }
0x88: {  	[sflag:s29] =	ssyncset.done $0x0  }
0x89: {  	s5 =	simm.s32 $0x8;
	[sflag:s29] =	ssyncadd.s32 $0xFFFFFC00  }
0x8a: {  	[spmem:s1] =	stream.indirect.scatter.add.f32 [tilespmem:s31], [sflag:$0x5], $0x80, s30, s5, $0xb8;
	[tilespmem:$0x1C580] =	vst v63  }
0x8b: {  	_ =	swait.ge [sflag:s21], $0x400  }
0x8c: {  	s2 =	sadd.s32 $0x1, s2;
	[sflag:s21] =	ssyncset.done $0x0  }
0x8d: {  	p0 =	sne.s32 s2, s17;
	[sflag:s21] =	ssyncadd.s32 $0xFFFFFC00  }
.Ltmp1:
0x8e: {  	[bflag:$0x0] =	sbarrier.arrive $0xFFFF;
	(pc) =	sbr.rel @p0 .LBB2_1-.Ltmp1, $4  }
0x8f: {  	[hbm:s16], [sflag:s7] =	dma.local [spmem:s0], $0x2800  }
0x90: {  	_ =	swait.ge [sflag:s21], $0x2800  }
0x91: {  	[sflag:s21] =	ssyncset.done $0x0  }
0x92: {  	[sflag:s21] =	ssyncadd.s32 $0xFFFFD800  }
0x93: {  	_ =	sfence.sel $0x180000  }
0x94: {  	[bflag:$0x0] =	sbarrier.arrive $0xFFFF  }
0x95: {  	_ =	strace $0x9000004A  }
0x96: {  	s0 =	stileid.u32;
	[bflag:$0x2] =	sbarrier.arrive $0xFFFF  }
0x97: {  	p0 =	sne.s32 s0, $0x0;
	s0 =	rddreg [dreg:$0x3]  }
0x98: {  	s0 =	sadd.s32 @!p0 $0x100000, s0  }
0x99: {  	[sflag:s0] =	ssyncadd.tile.s32 @!p0 $0x1;
	_ =	shalt  }
.Lfunc_end2:
_tile_overlayer_lowered:
.L_overlay_start_2:
0x9a: {  	(tag) =	ssettag $0x2  }
0x9b: {  	s0 =	rddreg [dreg:$0x0];
	s2 =	stileid.u32  }
0x9c: {  	s1 =	rddreg [dreg:$0x1];
	p0 =	sne.s32 s2, $0x0  }
0x9d: {  	s3 =	rddreg [dreg:$0x2];
	[bflag:$0x3] =	sbarrier.arrive $0xFFFF;
	s2 =	simm.s32 @!p0 $0x1C05  }
0x9e: {  	[timem:s3], [sflag:s2] =	dma.local @!p0 [hbm:s0], s1  }
0x9f: {  	s0 =	simm.s32 @!p0 $0x5  }
0xa0: {  	_ =	swait.ge @!p0 [sflag:s0], s1  }
0xa1: {  	s1 =	ssub.s32 @!p0 $0x0, s1;
	[sflag:s0] =	ssyncset.done @!p0 $0x0  }
0xa2: {  	[sflag:s0] =	ssyncadd.s32 @!p0 s1  }
0xa3: {  	[bflag:$0x3] =	sbarrier.arrive $0xFFFF  }
0xa4: {  	_ =	shalt  }

// kernel: kernel.7.cloned.1.call-start
scs
__scs_entry_jumppad:
0x0: {  	(pc) =	sbr.rel $0x88, $3  }
0x1: {  	(tag) =	ssettag $0x0;
	lr =	simm.s32 $0x1  }
0x2: {  	[smem:$0x3F8E] =	sst lr;
	_ =	strace $0xD0000000  }
0x3: {  	_ = 	snop  }
0x4: {  	_ = 	snop  }
0x5: {  	_ = 	snop  }
0x6: {  	_ = 	snop  }
0x7: {  	_ = 	snop  }
__scs_overlays_trampoline_lowered:
0x8: {  	[smem:$0x3F9D] =	sst s0  }
0x9: {  	[smem:$0x3F9E] =	sst s1  }
0xa: {  	[smem:$0x3F9F] =	sst s2  }
0xb: {  	[smem:$0x3FA0] =	sst s3  }
0xc: {  	[smem:$0x3FA1] =	sst s4  }
0xd: {  	[smem:$0x3FA2] =	sst s5  }
0xe: {  	[smem:$0x3FA3] =	sst s6  }
0xf: {  	[smem:$0x3FA4] =	sst s7  }
0x10: {  	[smem:$0x3FA5] =	sst s8  }
0x11: {  	[smem:$0x3FA6] =	sst s9;
	s0 =	simm.s32 @!p0 $0x0  }
0x12: {  	s1 =	sld [smem:$0x3F8C];
	s0 =	simm.s32 @p0 $0x1  }
0x13: {  	[smem:$0x3FA7] =	sst s0;
	s0 =	simm.s32 @!p1 $0x0  }
0x14: {  	s2 =	sld [smem:$0x3F8B];
	s0 =	simm.s32 @p1 $0x1  }
0x15: {  	[smem:$0x3FA8] =	sst s0;
	s0 =	simm.s32 @!p2 $0x0  }
0x16: {  	s3 =	sld [smem:$0x3FDB];
	s0 =	simm.s32 @p2 $0x1  }
0x17: {  	s4 =	simm.s32 $0x1BF5;
	[smem:$0x3FAA] =	sst s0  }
0x18: {  	s0 =	sld [smem:$0x3F8D];
	_ =	swait.ge [sflag:s4], $0x0  }
0x19: {  	s7 =	sld [smem:$0x3F8E]  }
0x1a: {  	s8 =	sadd.s32 $0xFFFFE003, lr  }
0x1b: {  	s9 =	sadd.s32 $0xFFFFFEF7, lr;
	s5 =	simm.s32 $0xFFFFFFFF;
	p2 =	slt.u32 s8, $0xFFFFF086  }
0x1c: {  	p1 =	slt.u32 s9, $0xF7A;
	s5 =	simm.s32 @!p2 $0x0  }
0x1d: {  	s5 =	simm.s32 @p1 $0x1;
	p0 =	seq.s32 s7, s2  }
0x1e: {  	s7 =	smul.u32 @!p0 $0xF7A, s2;
	p2 =	seq.s32 @!p0 s5, $0x0  }
0x1f: {  	s9 =	smul.u32 $0xF7A, s1;
	s8 =	simm.s32 @!p0 $0x1BF5;
	p2 =	por !p2, p0  }
0x20: {  	[sflag:s8] =	ssyncset.s32 @!p0 $0xFFFFF086;
	s6 =	sadd.s32 @!p0 s3, s7;
	s7 =	simm.s32 @!p0 $0x108  }
0x21: {  	s3 =	sadd.s32 s3, s9;
	s6 =	sadd.s32 @!p0 $0x88, s6;
	s7 =	simm.s32 @p2 $0x1082  }
0x22: {  	[simem:s7], [sflag:s8] =	dma.local @!p0 [hbm:s6], $0xF7A  }
0x23: {  	s9 =	sor.u32 $0xD0000000, s2;
	s6 =	simm.s32 $0x108;
	_ =	swait.ge @!p0 [sflag:s8], $0x0  }
0x24: {  	s3 =	sadd.s32 $0x88, s3;
	s6 =	simm.s32 @!p1 $0x1082;
	[sflag:s4] =	ssyncset.s32 $0xFFFFF086  }
0x25: {  	[simem:s6], [sflag:s4] =	dma.local [hbm:s3], $0xF7A  }
0x26: {  	[smem:$0x3F8E] =	sst s1;
	(tag) =	ssettag s2;
	_ =	strace s9  }
0x27: {  	s1 =	sld [smem:$0x3F9E]  }
0x28: {  	s2 =	sld [smem:$0x3F9F]  }
0x29: {  	s4 =	sld [smem:$0x3FA1]  }
0x2a: {  	p0 =	seq.s32 s5, $0x0;
	s5 =	sld [smem:$0x3FA2]  }
0x2b: {  	s6 =	sld [smem:$0x3FA3]  }
0x2c: {  	s7 =	sld [smem:$0x3FA4]  }
0x2d: {  	s3 =	simm.s32 $0x108;
	s8 =	sld [smem:$0x3FA5]  }
0x2e: {  	s3 =	simm.s32 @!p0 $0x1082;
	s9 =	sld [smem:$0x3FA6]  }
0x2f: {  	lr =	sadd.s32 s0, s3;
	s0 =	sld [smem:$0x3F9D]  }
0x30: {  	s3 =	sld [smem:$0x3FA0]  }
0x31: {  	[smem:$0x3FA9] =	sst s10  }
0x32: {  	s10 =	sld [smem:$0x3FA7];
	_ =	sdelay $0x3  }
0x33: {  	p0 =	seq.s32 s10, $0x1;
	s10 =	sld [smem:$0x3FA9];
	_ =	sdelay $0x3  }
0x34: {  	[smem:$0x3FA9] =	sst s10  }
0x35: {  	s10 =	sld [smem:$0x3FA8];
	_ =	sdelay $0x3  }
0x36: {  	p1 =	seq.s32 s10, $0x1;
	s10 =	sld [smem:$0x3FA9];
	_ =	sdelay $0x3  }
0x37: {  	[smem:$0x3FA9] =	sst s10  }
0x38: {  	s10 =	sld [smem:$0x3FAA]  }
0x39: {  	_ = 	snop;
	(pc) =	sbr.ind lr, $3  }
0x3a: {  	_ = 	snop  }
0x3b: {  	_ = 	snop  }
0x3c: {  	p2 =	seq.s32 s10, $0x1;
	s10 =	sld [smem:$0x3FA9]  }
0x3d: {  	_ =	shalt  }
0x3e: {  	_ =	shalt  }
0x3f: {  	_ =	shalt  }
0x40: {  	_ =	shalt  }
0x41: {  	_ =	shalt  }
0x42: {  	_ =	shalt  }
0x43: {  	_ =	shalt  }
0x44: {  	_ =	shalt  }
0x45: {  	_ =	shalt  }
0x46: {  	_ =	shalt  }
0x47: {  	_ =	shalt  }
0x48: {  	_ =	shalt  }
0x49: {  	_ =	shalt  }
0x4a: {  	_ =	shalt  }
0x4b: {  	_ =	shalt  }
0x4c: {  	_ =	shalt  }
0x4d: {  	_ =	shalt  }
0x4e: {  	_ =	shalt  }
0x4f: {  	_ =	shalt  }
0x50: {  	_ =	shalt  }
0x51: {  	_ =	shalt  }
0x52: {  	_ =	shalt  }
0x53: {  	_ =	shalt  }
0x54: {  	_ =	shalt  }
0x55: {  	_ =	shalt  }
0x56: {  	_ =	shalt  }
0x57: {  	_ =	shalt  }
0x58: {  	_ =	shalt  }
0x59: {  	_ =	shalt  }
0x5a: {  	_ =	shalt  }
0x5b: {  	_ =	shalt  }
0x5c: {  	_ =	shalt  }
0x5d: {  	_ =	shalt  }
0x5e: {  	_ =	shalt  }
0x5f: {  	_ =	shalt  }
0x60: {  	_ =	shalt  }
0x61: {  	_ =	shalt  }
0x62: {  	_ =	shalt  }
0x63: {  	_ =	shalt  }
0x64: {  	_ =	shalt  }
0x65: {  	_ =	shalt  }
0x66: {  	_ =	shalt  }
0x67: {  	_ =	shalt  }
0x68: {  	_ =	shalt  }
0x69: {  	_ =	shalt  }
0x6a: {  	_ =	shalt  }
0x6b: {  	_ =	shalt  }
0x6c: {  	_ =	shalt  }
0x6d: {  	_ =	shalt  }
0x6e: {  	_ =	shalt  }
0x6f: {  	_ =	shalt  }
0x70: {  	_ =	shalt  }
0x71: {  	_ =	shalt  }
0x72: {  	_ =	shalt  }
0x73: {  	_ =	shalt  }
0x74: {  	_ =	shalt  }
0x75: {  	_ =	shalt  }
0x76: {  	_ =	shalt  }
0x77: {  	_ =	shalt  }
0x78: {  	_ =	shalt  }
0x79: {  	_ =	shalt  }
0x7a: {  	_ =	shalt  }
0x7b: {  	_ =	shalt  }
0x7c: {  	_ =	shalt  }
0x7d: {  	_ =	shalt  }
0x7e: {  	_ =	shalt  }
0x7f: {  	_ =	shalt  }
0x80: {  	_ =	shalt  }
0x81: {  	_ =	shalt  }
0x82: {  	_ =	shalt  }
0x83: {  	_ =	shalt  }
0x84: {  	_ =	shalt  }
0x85: {  	_ =	shalt  }
0x86: {  	_ =	shalt  }
0x87: {  	_ =	shalt  }
.Lfunc_end0:
.L_simem_size_0:
called_computation_lowered:
.L_overlay_start_0:
0x88: {  	s2 =	sld [smem:$0x3FD9]  }
0x89: {  	s3 =	sld [smem:$0x3FFE];
	_ =	sdelay $0x1  }
0x8a: {  	s1 =	srdreg.scid  }
0x8b: {  	s0 =	sand.u32 $0x1, s1  }
0x8c: {  	s14 =	sshll.u32 s0, $0xA;
	s2 =	sadd.s32 s3, s2  }
0x8d: {  	s2 =	sadd.s32 s2, s14  }
0x8e: {  	[smem:$0x3FB5] =	sst s2  }
0x8f: {  	_ = 	snop  }
0x90: {  	s2 =	sld [smem:$0x3FD0];
	_ =	sdelay $0x2  }
0x91: {  	s15 =	simm.s32 $0xA;
	s4 =	simm.s32 $0x10  }
0x92: {  	[smem:s4], [sflag:s15] =	dma.local [hbm:s2], $0x1  }
0x93: {  	_ =	swait.eq [sflag:s15], $0x1  }
0x94: {  	[sflag:s15] =	ssyncset.done $0x0  }
0x95: {  	[sflag:s15] =	ssyncadd.s32 $0xFFFFFFFF  }
0x96: {  	s16 =	sld [smem:$0x11];
	(tm) =	ssettm $0x1  }
0x97: {  	s17 =	sld [smem:$0x3FFB];
	_ =	sdelay $0x3  }
0x98: {  	_ =	strace s17  }
0x99: {  	s3 =	sld [smem:$0x3FFC];
	_ =	sdelay $0x3  }
0x9a: {  	_ =	strace s3  }
0x9b: {  	s3 =	sld [smem:$0x3FFD];
	_ =	sdelay $0x3  }
0x9c: {  	_ =	strace s3  }
0x9d: {  	_ =	strace $0x8FFFFFFF  }
0x9e: {  	s18 =	sld [smem:$0x3FDB];
	_ =	sdelay $0x1  }
0x9f: {  	s19 =	simm.s32 $_scs_section_size  }
0xa0: {  	s5 =	simm.s32 $_size__tile_overlayer_lowered;
	s6 =	simm.s32 $_tile_overlayer_lowered  }
0xa1: {  	s22 =	simm.s32 $0x1BFF;
	s21 =	sshll.u32 s6, $0x1;
	s3 =	sadd.s32 s19, s18  }
0xa2: {  	s7 =	simm.s32 $0x0;
	s20 =	sshll.u32 s5, $0x1;
	s5 =	sadd.s32 s21, s3  }
0xa3: {  	[timem:s7], [sflag:s22] =	dma.local [hbm:s5], s20  }
0xa4: {  	_ =	swait.ge [sflag:s22], s20  }
0xa5: {  	s4 =	ssub.s32 $0x0, s20;
	[sflag:s22] =	ssyncset.done $0x0  }
0xa6: {  	[sflag:s22] =	ssyncadd.s32 s4;
	_ =	sdelay $0x1  }
0xa7: {  	s23 =	simm.s32 $0x1B8B  }
0xa8: {  	_ =	swait.ge [sflag:s23], $0x1  }
0xa9: {  	[sflag:s23] =	ssyncset.done $0x0  }
0xaa: {  	s25 =	simm.s32 $0x1B8E;
	s24 =	sld [smem:$0x3FFE];
	[sflag:s23] =	ssyncadd.s32 $0xFFFFFFFF  }
0xab: {  	s26 =	simm.s32 $execute0_lowered;
	[smem:$0x3FD2] =	sst s25  }
0xac: {  	s5 =	sshll.u32 s26, $0x1;
	_ =	strace $0x80000046;
	[dreg:$0x1] =	wrdreg $0xFFFFFFFF  }
0xad: {  	s28 =	simm.s32 $_size_execute0_lowered;
	s3 =	sadd.s32 s3, s5;
	[dreg:$0x0] =	wrdreg $0x0  }
0xae: {  	s5 =	sshll.u32 s28, $0x1;
	[dreg:$0x2] =	wrdreg s3  }
0xaf: {  	[dreg:$0x3] =	wrdreg s5  }
0xb0: {  	[dreg:$0x4] =	wrdreg $0xC0  }
0xb1: {  	_ =	task [dreg:s7], $0x5FFFF  }
0xb2: {  	[dreg:$0x1] =	wrdreg $0xFFFFFFFF  }
0xb3: {  	[dreg:$0x0] =	wrdreg $0x60  }
0xb4: {  	[dreg:$0x2] =	wrdreg s16  }
0xb5: {  	[dreg:$0x3] =	wrdreg s24  }
0xb6: {  	[dreg:$0x4] =	wrdreg $0x9  }
0xb7: {  	_ =	task.clear_ibuf [dreg:s7], $0x5FFFF;
	_ =	strace $0x90000046  }
0xb8: {  	s29 =	simm.s32 $0x9;
	_ =	strace $0x80000048  }
0xb9: {  	_ =	swait.ge [sflag:s29], $0x1  }
0xba: {  	[sflag:s29] =	ssyncadd.s32 $0xFFFFFFFF  }
0xbb: {  	_ =	strace $0x90000048  }
0xbc: {  	_ =	sfence  }
0xbd: {  	s30 =	sld [smem:$0x0];
	_ =	sdelay $0x2  }
0xbe: {  	s31 =	sshll.u32 s1, $0xD;
	s1 =	sshrl.u32 s1, $0x2  }
0xbf: {  	s3 =	sand.u32 $0x4000, s31;
	s1 =	sadd.s32 s1, s30  }
0xc0: {  	s0 =	sor.u32 s3, s0;
	s1 =	sshll.u32 s1, $0x11  }
0xc1: {  	s0 =	sor.u32 s1, s0  }
0xc2: {  	s0 =	sadd.s32 $0x8F2B, s0  }
0xc3: {  	[sflag:s0] =	ssyncadd.remote.s32 $0x1  }
0xc4: {  	_ =	sfence.sel $0xFFFF  }
0xc5: {  	[dreg:$0x0] =	wrdreg $0xFFFFFFFF;
	(pc) =	sbr.abs _section_cstart, $3  }
0xc6: {  	[dreg:$0x1] =	wrdreg $0xFFFFFFFF  }
0xc7: {  	_ =	task.clear_ibuf [dreg:s7], $0x2FFFF;
	_ =	strace $0x9FFFFFFF  }
0xc8: {  	(tm) =	ssettm $0x7FFFFFFF  }
0xc9: {  	_ =	shalt  }
tec
execute0_lowered:
.L_overlay_start_1:
0x0: {  	(tag) =	ssettag $0x1  }
0x1: {  	s2 =	rddreg [dreg:$0x0]  }
0x2: {  	s0 =	srdreg.scid;
	s10 =	stileid.u32  }
0x3: {  	s1 =	rddreg [dreg:$0x1];
	s3 =	simm.s32 $0x0;
	s17 =	simm.s32 $0x1400  }
0x4: {  	s28 =	simm.s32 $0x2;
	s30 =	simm.s32 $0x3;
	s29 =	simm.s32 $0x8  }
0x5: {  	s0 =	sand.u32 $0x1, s0;
	s4 =	sshll.u32 s10, $0x1;
	s21 =	smul.u32 $0x27100, s10  }
0x6: {  	s5 =	sor.u32 s0, s4;
	s7 =	ssub.s32 $0x2, s0;
	s0 =	smul.u32 $0x13880, s0  }
0x7: {  	s31 =	simm.s32 $0x9;
	[smem:$0x7FF] =	sst s3;
	s6 =	smul.u32 $0x1388, s5  }
0x8: {  	_ =	strace $0x80000047;
	s8 =	sshrl.u32 s7, $0x1;
	s9 =	smul.u32 $0x9C400, s5  }
0x9: {  	s4 =	sadd.s32 $0xD000, s1;
	s5 =	smul.u32 $0x13880, s5;
	s7 =	ssub.s32 s7, s8  }
0xa: {  	s8 =	simm.s32 $0x0;
	s6 =	sshrl.u32 s6, $0x3;
	s19 =	sshrl.u32 s9, $0x3  }
0xb: {  	s15 =	smax.u32 s7, $0x1;
	s7 =	simm.s32 $0x12800;
	s6 =	sadd.s32 s6, s1  }
0xc: {  	s1 =	sadd.s32 $0x34200, s1;
	s18 =	sadd.s32 $0x8000, s6;
	s6 =	sadd.s32 $0x3000, s6  }
0xd: {  	s5 =	sadd.s32 s1, s5;
	s20 =	sadd.s32 s1, s19;
	[dreg:$0x3] =	wrdreg s18  }
0xe: {  	s1 =	sadd.s32 s21, s1;
	s19 =	simm.s32 $0x5;
	[dreg:$0x4] =	wrdreg s6  }
0xf: {  	s21 =	simm.s32 $0x2800;
	[dreg:$0x5] =	wrdreg s5;
	s22 =	sadd.s32 $0x800, s20  }
0x10: {  	s23 =	sadd.s32 $0x1000, s20;
	s24 =	sadd.s32 $0x1800, s20;
	s25 =	sadd.s32 $0x12000, s20  }
0x11: {  	s26 =	sadd.s32 $0x12800, s20;
	s13 =	sadd.s32 $0x13000, s20;
	[dreg:$0x6] =	wrdreg s22  }
0x12: {  	s0 =	sadd.s32 s0, s1;
	s14 =	sadd.s32 $0x13800, s20;
	[dreg:$0x7] =	wrdreg s23  }
0x13: {  	s18 =	simm.s32 $0x1;
	s20 =	simm.s32 $0x80;
	[dreg:$0x8] =	wrdreg s24  }
0x14: {  	s1 =	simm.s32 $0x4;
	s5 =	simm.s32 $0xB;
	[dreg:$0x9] =	wrdreg s25  }
0x15: {  	s6 =	simm.s32 $0xC;
	[dreg:$0xa] =	wrdreg s26;
	s16 =	sadd.s32 $0x2000, s0  }
0x16: {  	s22 =	simm.s32 $0x6800;
	s24 =	simm.s32 $0xA800;
	s26 =	simm.s32 $0xE800  }
0x17: {  	s23 =	simm.s32 $0x6;
	s25 =	simm.s32 $0x7;
	s0 =	simm.s32 $0xA  }
.LBB2_1:
0x18: {  	s9 =	rddreg [dreg:$0x3]  }
0x19: {  	[tilespmem:s3], [sflag:$0x1] =	stream.linear.gather [hbm4b:s9+s3], $0x1388, $0x38;
	[tilespmem:$0x12C00] =	vst v63  }
0x1a: {  	s11 =	rddreg [dreg:$0x4]  }
0x1b: {  	[tilespmem:s17], [sflag:$0x5] =	stream.linear.gather [hbm4b:s11+s3], $0x1388, $0x38;
	[tilespmem:$0x12C00] =	vst v63  }
0x1c: {  	_ =	swait.ge [sflag:s18], $0x1388  }
0x1d: {  	[sflag:s18] =	ssyncset.done $0x0  }
0x1e: {  	[sflag:s18] =	ssyncadd.s32 $0xFFFFEC78  }
0x1f: {  	_ =	swait.ge [sflag:s19], $0x1388  }
0x20: {  	[sflag:s19] =	ssyncset.done $0x0  }
0x21: {  	[sflag:s19] =	ssyncadd.s32 $0xFFFFEC78  }
0x22: {  	[tilespmem:s21], [sflag:$0x1] =	stream.indirect.gather [hbm4b:s2+s20], $0x80, s3, s20, $0xb8;
	[tilespmem:$0x12C00] =	vst v63  }
0x23: {  	_ = 	snop  }
0x24: {  	[tilespmem:s22], [sflag:$0x2] =	stream.indirect.gather [hbm4b:s2+s20], $0x80, s20, s20, $0xb8;
	[tilespmem:$0x12C00] =	vst v63  }
0x25: {  	s12 =	simm.s32 $0x100  }
0x26: {  	[tilespmem:s24], [sflag:$0x3] =	stream.indirect.gather [hbm4b:s2+s20], $0x80, s12, s20, $0xb8;
	[tilespmem:$0x12C00] =	vst v63  }
0x27: {  	s10 =	simm.s32 $0x180  }
0x28: {  	[tilespmem:s26], [sflag:$0x4] =	stream.indirect.gather [hbm4b:s2+s20], $0x80, s10, s20, $0xb8;
	[tilespmem:$0x12C00] =	vst v63  }
0x29: {  	_ =	swait.ge [sflag:s18], $0x4000  }
0x2a: {  	[sflag:s18] =	ssyncset.done $0x0  }
0x2b: {  	[sflag:s18] =	ssyncadd.s32 $0xFFFFC000  }
0x2c: {  	[tilespmem:s21], [sflag:$0x5] =	stream.indirect.gather.add.f32 [hbm:s4], $0x80, s17, s20, $0xb8;
	[tilespmem:$0x12C00] =	vst v63  }
0x2d: {  	_ =	swait.ge [sflag:s28], $0x4000  }
0x2e: {  	[sflag:s28] =	ssyncset.done $0x0  }
0x2f: {  	s11 =	simm.s32 $0x1480;
	[sflag:s28] =	ssyncadd.s32 $0xFFFFC000  }
0x30: {  	[tilespmem:s22], [sflag:$0x6] =	stream.indirect.gather.add.f32 [hbm:s4], $0x80, s11, s20, $0xb8;
	[tilespmem:$0x12C00] =	vst v63  }
0x31: {  	_ =	swait.ge [sflag:s30], $0x4000  }
0x32: {  	[sflag:s30] =	ssyncset.done $0x0  }
0x33: {  	s12 =	simm.s32 $0x1500;
	[sflag:s30] =	ssyncadd.s32 $0xFFFFC000  }
0x34: {  	[tilespmem:s24], [sflag:$0x7] =	stream.indirect.gather.add.f32 [hbm:s4], $0x80, s12, s20, $0xb8;
	[tilespmem:$0x12C00] =	vst v63  }
0x35: {  	_ =	swait.ge [sflag:s1], $0x4000  }
0x36: {  	[sflag:s1] =	ssyncset.done $0x0  }
0x37: {  	s10 =	simm.s32 $0x1580;
	[sflag:s1] =	ssyncadd.s32 $0xFFFFC000  }
0x38: {  	[tilespmem:s26], [sflag:$0x8] =	stream.indirect.gather.add.f32 [hbm:s4], $0x80, s10, s20, $0xb8;
	[tilespmem:$0x12C00] =	vst v63  }
0x39: {  	_ =	swait.ge [sflag:s19], $0x4000  }
0x3a: {  	[sflag:s19] =	ssyncset.done $0x0  }
0x3b: {  	s11 =	rddreg [dreg:$0x5];
	[sflag:s19] =	ssyncadd.s32 $0xFFFFC000  }
0x3c: {  	[hbm4b:s11+s3] =	stream.linear.scatter [tilespmem:s21], [sflag:$0x9], $0x4000, $0x38;
	[tilespmem:$0x12C00] =	vst v63  }
0x3d: {  	_ =	swait.ge [sflag:s23], $0x4000  }
0x3e: {  	[sflag:s23] =	ssyncset.done $0x0  }
0x3f: {  	s12 =	rddreg [dreg:$0x6];
	[sflag:s23] =	ssyncadd.s32 $0xFFFFC000  }
0x40: {  	[hbm4b:s12+s3] =	stream.linear.scatter [tilespmem:s22], [sflag:$0xA], $0x4000, $0x38;
	[tilespmem:$0x12C00] =	vst v63  }
0x41: {  	_ =	swait.ge [sflag:s25], $0x4000  }
0x42: {  	[sflag:s25] =	ssyncset.done $0x0  }
0x43: {  	s10 =	rddreg [dreg:$0x7];
	[sflag:s25] =	ssyncadd.s32 $0xFFFFC000  }
0x44: {  	[hbm4b:s10+s3] =	stream.linear.scatter [tilespmem:s24], [sflag:$0xB], $0x4000, $0x38;
	[tilespmem:$0x12C00] =	vst v63  }
0x45: {  	_ =	swait.ge [sflag:s29], $0x4000  }
0x46: {  	[sflag:s29] =	ssyncset.done $0x0  }
0x47: {  	s11 =	rddreg [dreg:$0x8];
	[sflag:s29] =	ssyncadd.s32 $0xFFFFC000  }
0x48: {  	[hbm4b:s11+s3] =	stream.linear.scatter [tilespmem:s26], [sflag:$0xC], $0x4000, $0x38;
	[tilespmem:$0x12C00] =	vst v63  }
0x49: {  	_ =	swait.ge [sflag:s31], $0x4000  }
0x4a: {  	[sflag:s31] =	ssyncset.done $0x0  }
0x4b: {  	s12 =	simm.s32 $0x200;
	[sflag:s31] =	ssyncadd.s32 $0xFFFFC000  }
0x4c: {  	[tilespmem:s21], [sflag:$0x1] =	stream.indirect.gather [hbm4b:s2+s20], $0x80, s12, s20, $0xb8;
	[tilespmem:$0x12C00] =	vst v63  }
0x4d: {  	_ =	swait.ge [sflag:s0], $0x4000  }
0x4e: {  	[sflag:s0] =	ssyncset.done $0x0  }
0x4f: {  	s10 =	simm.s32 $0x280;
	[sflag:s0] =	ssyncadd.s32 $0xFFFFC000  }
0x50: {  	[tilespmem:s22], [sflag:$0x2] =	stream.indirect.gather [hbm4b:s2+s20], $0x80, s10, s20, $0xb8;
	[tilespmem:$0x12C00] =	vst v63  }
0x51: {  	_ =	swait.ge [sflag:s5], $0x4000  }
0x52: {  	[sflag:s5] =	ssyncset.done $0x0  }
0x53: {  	s11 =	simm.s32 $0x300;
	[sflag:s5] =	ssyncadd.s32 $0xFFFFC000  }
0x54: {  	[tilespmem:s24], [sflag:$0x3] =	stream.indirect.gather [hbm4b:s2+s20], $0x80, s11, s20, $0xb8;
	[tilespmem:$0x12C00] =	vst v63  }
0x55: {  	_ =	swait.ge [sflag:s6], $0x4000  }
0x56: {  	[sflag:s6] =	ssyncset.done $0x0  }
0x57: {  	s12 =	simm.s32 $0x380;
	[sflag:s6] =	ssyncadd.s32 $0xFFFFC000  }
0x58: {  	[tilespmem:s26], [sflag:$0x4] =	stream.indirect.gather [hbm4b:s2+s20], $0x80, s12, s20, $0xb8;
	[tilespmem:$0x12C00] =	vst v63  }
0x59: {  	_ =	swait.ge [sflag:s18], $0x4000  }
0x5a: {  	[sflag:s18] =	ssyncset.done $0x0  }
0x5b: {  	s10 =	simm.s32 $0x1600;
	[sflag:s18] =	ssyncadd.s32 $0xFFFFC000  }
0x5c: {  	[tilespmem:s21], [sflag:$0x5] =	stream.indirect.gather.add.f32 [hbm:s4], $0x80, s10, s20, $0xb8;
	[tilespmem:$0x12C00] =	vst v63  }
0x5d: {  	_ =	swait.ge [sflag:s28], $0x4000  }
0x5e: {  	[sflag:s28] =	ssyncset.done $0x0  }
0x5f: {  	s11 =	simm.s32 $0x1680;
	[sflag:s28] =	ssyncadd.s32 $0xFFFFC000  }
0x60: {  	[tilespmem:s22], [sflag:$0x6] =	stream.indirect.gather.add.f32 [hbm:s4], $0x80, s11, s20, $0xb8;
	[tilespmem:$0x12C00] =	vst v63  }
0x61: {  	_ =	swait.ge [sflag:s30], $0x4000  }
0x62: {  	[sflag:s30] =	ssyncset.done $0x0  }
0x63: {  	s12 =	simm.s32 $0x1700;
	[sflag:s30] =	ssyncadd.s32 $0xFFFFC000  }
0x64: {  	[tilespmem:s24], [sflag:$0x7] =	stream.indirect.gather.add.f32 [hbm:s4], $0x80, s12, s20, $0xb8;
	[tilespmem:$0x12C00] =	vst v63  }
0x65: {  	_ =	swait.ge [sflag:s1], $0x4000  }
0x66: {  	[sflag:s1] =	ssyncset.done $0x0  }
0x67: {  	s10 =	simm.s32 $0x1780;
	[sflag:s1] =	ssyncadd.s32 $0xFFFFC000  }
0x68: {  	[tilespmem:s26], [sflag:$0x8] =	stream.indirect.gather.add.f32 [hbm:s4], $0x80, s10, s20, $0xb8;
	[tilespmem:$0x12C00] =	vst v63  }
0x69: {  	_ =	swait.ge [sflag:s19], $0x4000  }
0x6a: {  	[sflag:s19] =	ssyncset.done $0x0  }
0x6b: {  	[sflag:s19] =	ssyncadd.s32 $0xFFFFC000  }
0x6c: {  	[hbm4b:s16+s3] =	stream.linear.scatter [tilespmem:s21], [sflag:$0x9], $0x4000, $0x38;
	[tilespmem:$0x12C00] =	vst v63  }
0x6d: {  	_ =	swait.ge [sflag:s23], $0x4000  }
0x6e: {  	[sflag:s23] =	ssyncset.done $0x0  }
0x6f: {  	s11 =	sadd.s32 $0x800, s16;
	[sflag:s23] =	ssyncadd.s32 $0xFFFFC000  }
0x70: {  	[hbm4b:s11+s3] =	stream.linear.scatter [tilespmem:s22], [sflag:$0xA], $0x4000, $0x38;
	[tilespmem:$0x12C00] =	vst v63  }
0x71: {  	_ =	swait.ge [sflag:s25], $0x4000  }
0x72: {  	[sflag:s25] =	ssyncset.done $0x0  }
0x73: {  	s12 =	sadd.s32 $0x1000, s16;
	[sflag:s25] =	ssyncadd.s32 $0xFFFFC000  }
0x74: {  	[hbm4b:s12+s3] =	stream.linear.scatter [tilespmem:s24], [sflag:$0xB], $0x4000, $0x38;
	[tilespmem:$0x12C00] =	vst v63  }
0x75: {  	_ =	swait.ge [sflag:s29], $0x4000  }
0x76: {  	s9 =	simm.s32 $0x800;
	[sflag:s29] =	ssyncset.done $0x0  }
0x77: {  	s10 =	sadd.s32 $0x2000, s16;
	s11 =	sadd.s32 $0x1800, s16;
	[sflag:s29] =	ssyncadd.s32 $0xFFFFC000  }
.LBB2_2:
0x78: {  	[hbm4b:s11+s3] =	stream.linear.scatter [tilespmem:s26], [sflag:$0xC], $0x4000, $0x38;
	[tilespmem:$0x12C00] =	vst v63  }
0x79: {  	s11 =	smov.u32 s9  }
0x7a: {  	p0 =	sne.s32 s9, $0x3800;
	s9 =	sadd.s32 $0x800, s9;
	_ =	swait.ge [sflag:s31], $0x4000  }
0x7b: {  	s11 =	sshra.s32 s11, $0x2;
	[sflag:s31] =	ssyncset.done $0x0  }
0x7c: {  	s12 =	sadd.s32 $0x200, s11;
	[sflag:s31] =	ssyncadd.s32 $0xFFFFC000  }
0x7d: {  	[tilespmem:s21], [sflag:$0x1] =	stream.indirect.gather [hbm4b:s2+s20], $0x80, s12, s20, $0xb8;
	[tilespmem:$0x12C00] =	vst v63  }
0x7e: {  	_ =	swait.ge [sflag:s0], $0x4000  }
0x7f: {  	[sflag:s0] =	ssyncset.done $0x0  }
0x80: {  	s12 =	sadd.s32 $0x280, s11;
	[sflag:s0] =	ssyncadd.s32 $0xFFFFC000  }
0x81: {  	[tilespmem:s22], [sflag:$0x2] =	stream.indirect.gather [hbm4b:s2+s20], $0x80, s12, s20, $0xb8;
	[tilespmem:$0x12C00] =	vst v63  }
0x82: {  	_ =	swait.ge [sflag:s5], $0x4000  }
0x83: {  	[sflag:s5] =	ssyncset.done $0x0  }
0x84: {  	s12 =	sadd.s32 $0x300, s11;
	[sflag:s5] =	ssyncadd.s32 $0xFFFFC000  }
0x85: {  	[tilespmem:s24], [sflag:$0x3] =	stream.indirect.gather [hbm4b:s2+s20], $0x80, s12, s20, $0xb8;
	[tilespmem:$0x12C00] =	vst v63  }
0x86: {  	_ =	swait.ge [sflag:s6], $0x4000  }
0x87: {  	[sflag:s6] =	ssyncset.done $0x0  }
0x88: {  	s12 =	sadd.s32 $0x380, s11;
	[sflag:s6] =	ssyncadd.s32 $0xFFFFC000  }
0x89: {  	[tilespmem:s26], [sflag:$0x4] =	stream.indirect.gather [hbm4b:s2+s20], $0x80, s12, s20, $0xb8;
	[tilespmem:$0x12C00] =	vst v63  }
0x8a: {  	_ =	swait.ge [sflag:s18], $0x4000  }
0x8b: {  	[sflag:s18] =	ssyncset.done $0x0  }
0x8c: {  	s12 =	sadd.s32 $0x1600, s11;
	[sflag:s18] =	ssyncadd.s32 $0xFFFFC000  }
0x8d: {  	[tilespmem:s21], [sflag:$0x5] =	stream.indirect.gather.add.f32 [hbm:s4], $0x80, s12, s20, $0xb8;
	[tilespmem:$0x12C00] =	vst v63  }
0x8e: {  	_ =	swait.ge [sflag:s28], $0x4000  }
0x8f: {  	[sflag:s28] =	ssyncset.done $0x0  }
0x90: {  	s12 =	sadd.s32 $0x1680, s11;
	[sflag:s28] =	ssyncadd.s32 $0xFFFFC000  }
0x91: {  	[tilespmem:s22], [sflag:$0x6] =	stream.indirect.gather.add.f32 [hbm:s4], $0x80, s12, s20, $0xb8;
	[tilespmem:$0x12C00] =	vst v63  }
0x92: {  	_ =	swait.ge [sflag:s30], $0x4000  }
0x93: {  	[sflag:s30] =	ssyncset.done $0x0  }
0x94: {  	s12 =	sadd.s32 $0x1700, s11;
	[sflag:s30] =	ssyncadd.s32 $0xFFFFC000  }
0x95: {  	[tilespmem:s24], [sflag:$0x7] =	stream.indirect.gather.add.f32 [hbm:s4], $0x80, s12, s20, $0xb8;
	[tilespmem:$0x12C00] =	vst v63  }
0x96: {  	_ =	swait.ge [sflag:s1], $0x4000  }
0x97: {  	[sflag:s1] =	ssyncset.done $0x0  }
0x98: {  	s11 =	sadd.s32 $0x1780, s11;
	[sflag:s1] =	ssyncadd.s32 $0xFFFFC000  }
0x99: {  	[tilespmem:s26], [sflag:$0x8] =	stream.indirect.gather.add.f32 [hbm:s4], $0x80, s11, s20, $0xb8;
	[tilespmem:$0x12C00] =	vst v63  }
0x9a: {  	_ =	swait.ge [sflag:s19], $0x4000  }
0x9b: {  	[sflag:s19] =	ssyncset.done $0x0  }
0x9c: {  	[sflag:s19] =	ssyncadd.s32 $0xFFFFC000  }
0x9d: {  	[hbm4b:s10+s3] =	stream.linear.scatter [tilespmem:s21], [sflag:$0x9], $0x4000, $0x38;
	[tilespmem:$0x12C00] =	vst v63  }
0x9e: {  	_ =	swait.ge [sflag:s23], $0x4000  }
0x9f: {  	[sflag:s23] =	ssyncset.done $0x0  }
0xa0: {  	s11 =	sadd.s32 $0x800, s10;
	[sflag:s23] =	ssyncadd.s32 $0xFFFFC000  }
0xa1: {  	[hbm4b:s11+s3] =	stream.linear.scatter [tilespmem:s22], [sflag:$0xA], $0x4000, $0x38;
	[tilespmem:$0x12C00] =	vst v63  }
0xa2: {  	_ =	swait.ge [sflag:s25], $0x4000  }
0xa3: {  	[sflag:s25] =	ssyncset.done $0x0  }
.Ltmp0:
0xa4: {  	s11 =	sadd.s32 $0x1000, s10;
	[sflag:s25] =	ssyncadd.s32 $0xFFFFC000;
	(pc) =	sbr.rel @p0 .LBB2_2-.Ltmp0, $4  }
0xa5: {  	[hbm4b:s11+s3] =	stream.linear.scatter [tilespmem:s24], [sflag:$0xB], $0x4000, $0x38;
	[tilespmem:$0x12C00] =	vst v63  }
0xa6: {  	_ =	swait.ge [sflag:s29], $0x4000  }
0xa7: {  	[sflag:s29] =	ssyncset.done $0x0  }
0xa8: {  	s11 =	sadd.s32 $0x1800, s10;
	s10 =	sadd.s32 $0x2000, s10;
	[sflag:s29] =	ssyncadd.s32 $0xFFFFC000  }
0xa9: {  	[hbm4b:s11+s3] =	stream.linear.scatter [tilespmem:s26], [sflag:$0xC], $0x4000, $0x38;
	[tilespmem:$0x12C00] =	vst v63  }
0xaa: {  	_ =	swait.ge [sflag:s31], $0x4000  }
0xab: {  	[sflag:s31] =	ssyncset.done $0x0  }
0xac: {  	s9 =	simm.s32 $0x1200;
	[sflag:s31] =	ssyncadd.s32 $0xFFFFC000  }
0xad: {  	[tilespmem:s21], [sflag:$0x1] =	stream.indirect.gather [hbm4b:s2+s20], $0x80, s9, s20, $0xb8;
	[tilespmem:$0x12C00] =	vst v63  }
0xae: {  	_ =	swait.ge [sflag:s0], $0x4000  }
0xaf: {  	[sflag:s0] =	ssyncset.done $0x0  }
0xb0: {  	s10 =	simm.s32 $0x1280;
	[sflag:s0] =	ssyncadd.s32 $0xFFFFC000  }
0xb1: {  	[tilespmem:s22], [sflag:$0x2] =	stream.indirect.gather [hbm4b:s2+s20], $0x80, s10, s20, $0xb8;
	[tilespmem:$0x12C00] =	vst v63  }
0xb2: {  	_ =	swait.ge [sflag:s5], $0x4000  }
0xb3: {  	[sflag:s5] =	ssyncset.done $0x0  }
0xb4: {  	s11 =	simm.s32 $0x1300;
	[sflag:s5] =	ssyncadd.s32 $0xFFFFC000  }
0xb5: {  	[tilespmem:s24], [sflag:$0x3] =	stream.indirect.gather [hbm4b:s2+s20], $0x80, s11, s20, $0xb8;
	[tilespmem:$0x12C00] =	vst v63  }
0xb6: {  	_ =	swait.ge [sflag:s6], $0x4000  }
0xb7: {  	[sflag:s6] =	ssyncset.done $0x0  }
0xb8: {  	s12 =	simm.s32 $0x1380;
	[sflag:s6] =	ssyncadd.s32 $0xFFFFC000  }
0xb9: {  	[tilespmem:s7], [sflag:$0x4] =	stream.indirect.gather [hbm4b:s2+s29], $0x80, s12, s29, $0xb8;
	[tilespmem:$0x12C00] =	vst v63  }
0xba: {  	_ =	swait.ge [sflag:s18], $0x4000  }
0xbb: {  	[sflag:s18] =	ssyncset.done $0x0  }
0xbc: {  	s10 =	simm.s32 $0x2600;
	[sflag:s18] =	ssyncadd.s32 $0xFFFFC000  }
0xbd: {  	[tilespmem:s21], [sflag:$0x5] =	stream.indirect.gather.add.f32 [hbm:s4], $0x80, s10, s20, $0xb8;
	[tilespmem:$0x12C00] =	vst v63  }
0xbe: {  	_ =	swait.ge [sflag:s28], $0x4000  }
0xbf: {  	[sflag:s28] =	ssyncset.done $0x0  }
0xc0: {  	s11 =	simm.s32 $0x2680;
	[sflag:s28] =	ssyncadd.s32 $0xFFFFC000  }
0xc1: {  	[tilespmem:s22], [sflag:$0x6] =	stream.indirect.gather.add.f32 [hbm:s4], $0x80, s11, s20, $0xb8;
	[tilespmem:$0x12C00] =	vst v63  }
0xc2: {  	_ =	swait.ge [sflag:s30], $0x4000  }
0xc3: {  	[sflag:s30] =	ssyncset.done $0x0  }
0xc4: {  	s12 =	simm.s32 $0x2700;
	[sflag:s30] =	ssyncadd.s32 $0xFFFFC000  }
0xc5: {  	[tilespmem:s24], [sflag:$0x7] =	stream.indirect.gather.add.f32 [hbm:s4], $0x80, s12, s20, $0xb8;
	[tilespmem:$0x12C00] =	vst v63  }
0xc6: {  	_ =	swait.ge [sflag:s1], $0x400  }
0xc7: {  	[sflag:s1] =	ssyncset.done $0x0  }
0xc8: {  	s10 =	simm.s32 $0x2780;
	[sflag:s1] =	ssyncadd.s32 $0xFFFFFC00  }
0xc9: {  	[tilespmem:s7], [sflag:$0x8] =	stream.indirect.gather.add.f32 [hbm:s4], $0x80, s10, s29, $0xb8;
	[tilespmem:$0x12C00] =	vst v63  }
0xca: {  	_ =	swait.ge [sflag:s19], $0x4000  }
0xcb: {  	[sflag:s19] =	ssyncset.done $0x0  }
0xcc: {  	s11 =	rddreg [dreg:$0x9];
	[sflag:s19] =	ssyncadd.s32 $0xFFFFC000  }
0xcd: {  	[hbm4b:s11+s3] =	stream.linear.scatter [tilespmem:s21], [sflag:$0x9], $0x4000, $0x38;
	[tilespmem:$0x12C00] =	vst v63  }
0xce: {  	_ =	swait.ge [sflag:s23], $0x4000  }
0xcf: {  	[sflag:s23] =	ssyncset.done $0x0  }
0xd0: {  	s12 =	rddreg [dreg:$0xa];
	[sflag:s23] =	ssyncadd.s32 $0xFFFFC000  }
0xd1: {  	[hbm4b:s12+s3] =	stream.linear.scatter [tilespmem:s22], [sflag:$0xA], $0x4000, $0x38;
	[tilespmem:$0x12C00] =	vst v63  }
0xd2: {  	_ =	swait.ge [sflag:s25], $0x4000  }
0xd3: {  	[sflag:s25] =	ssyncset.done $0x0  }
0xd4: {  	[sflag:s25] =	ssyncadd.s32 $0xFFFFC000  }
0xd5: {  	[hbm4b:s13+s3] =	stream.linear.scatter [tilespmem:s24], [sflag:$0xB], $0x4000, $0x38;
	[tilespmem:$0x12C00] =	vst v63  }
0xd6: {  	_ =	swait.ge [sflag:s29], $0x400  }
0xd7: {  	[sflag:s29] =	ssyncset.done $0x0  }
0xd8: {  	[sflag:s29] =	ssyncadd.s32 $0xFFFFFC00  }
0xd9: {  	[hbm4b:s14+s3] =	stream.linear.scatter [tilespmem:s7], [sflag:$0xC], $0x400, $0x38;
	[tilespmem:$0x12C00] =	vst v63  }
0xda: {  	_ =	swait.ge [sflag:s31], $0x4000  }
0xdb: {  	[sflag:s31] =	ssyncset.done $0x0  }
0xdc: {  	[sflag:s31] =	ssyncadd.s32 $0xFFFFC000  }
0xdd: {  	_ =	swait.ge [sflag:s0], $0x4000  }
0xde: {  	[sflag:s0] =	ssyncset.done $0x0  }
0xdf: {  	s8 =	sadd.s32 $0x1, s8;
	[sflag:s0] =	ssyncadd.s32 $0xFFFFC000  }
0xe0: {  	p0 =	sne.s32 s8, s15;
	_ =	swait.ge [sflag:s5], $0x4000  }
.Ltmp1:
0xe1: {  	[sflag:s5] =	ssyncset.done $0x0;
	(pc) =	sbr.rel @p0 .LBB2_1-.Ltmp1, $4  }
0xe2: {  	[sflag:s5] =	ssyncadd.s32 $0xFFFFC000  }
0xe3: {  	_ =	swait.ge [sflag:s6], $0x400  }
0xe4: {  	[sflag:s6] =	ssyncset.done $0x0  }
0xe5: {  	[sflag:s6] =	ssyncadd.s32 $0xFFFFFC00  }
0xe6: {  	_ =	sfence.sel $0x180000  }
0xe7: {  	[bflag:$0x0] =	sbarrier.arrive $0xFFFF  }
0xe8: {  	_ =	strace $0x90000047  }
0xe9: {  	s0 =	stileid.u32;
	[bflag:$0x2] =	sbarrier.arrive $0xFFFF  }
0xea: {  	p0 =	sne.s32 s0, $0x0;
	s0 =	rddreg [dreg:$0x2]  }
0xeb: {  	s0 =	sadd.s32 @!p0 $0x100000, s0  }
0xec: {  	[sflag:s0] =	ssyncadd.tile.s32 @!p0 $0x1;
	_ =	shalt  }
.Lfunc_end2:
_tile_overlayer_lowered:
.L_overlay_start_2:
0xed: {  	(tag) =	ssettag $0x2  }
0xee: {  	s0 =	rddreg [dreg:$0x0];
	s2 =	stileid.u32  }
0xef: {  	s1 =	rddreg [dreg:$0x1];
	p0 =	sne.s32 s2, $0x0  }
0xf0: {  	s3 =	rddreg [dreg:$0x2];
	[bflag:$0x3] =	sbarrier.arrive $0xFFFF;
	s2 =	simm.s32 @!p0 $0x1C0D  }
0xf1: {  	[timem:s3], [sflag:s2] =	dma.local @!p0 [hbm:s0], s1  }
0xf2: {  	s0 =	simm.s32 @!p0 $0xD  }
0xf3: {  	_ =	swait.ge @!p0 [sflag:s0], s1  }
0xf4: {  	s1 =	ssub.s32 @!p0 $0x0, s1;
	[sflag:s0] =	ssyncset.done @!p0 $0x0  }
0xf5: {  	[sflag:s0] =	ssyncadd.s32 @!p0 s1  }
0xf6: {  	[bflag:$0x3] =	sbarrier.arrive $0xFFFF  }
0xf7: {  	_ =	shalt  }

</sc_bundles>
